<compile_context>
chip_gen: v7x
topology: tpu7x:2x2x1
jax: 0.10.2.dev20260603
libtpu: 0.0.44.dev20260713+nightly
codegen_flags: <defaults>
</compile_context>

<pallas_src>
import functools
import jax
import jax.numpy as jnp
from jax import lax
from jax.experimental import pallas as pl
from jax.experimental.pallas import tpu as pltpu
from jax.experimental.pallas import tpu_sc as plsc

_N = 10000
_D = 128
_G = 16
_E = 320000

_NC = 2
_NS = 16
_NW = _NC * _NS
_CH = 128
_C = 79
_E_PAD = _NW * _C * _CH
_ROWS = 10240
_STRIPE = _ROWS // _NS


def _sc_agg(x, src_idx, dst_idx):
    mesh = plsc.VectorSubcoreMesh(core_axis_name="c", subcore_axis_name="s")

    @functools.partial(
        pl.kernel,
        out_type=jax.ShapeDtypeStruct((_NC, _ROWS, _D), jnp.float32),
        mesh=mesh,
        scratch_types=[
            pltpu.VMEM((_C * _CH,), jnp.int32),
            pltpu.VMEM((_C, _CH), jnp.int32),
            pltpu.VMEM((_CH, _D), jnp.float32),
            pltpu.VMEM_SHARED((_ROWS, _D), jnp.float32),
            pltpu.SemaphoreType.DMA,
        ],
    )
    def k(x_hbm, src_hbm, dst_hbm, out_hbm, src_v, dst_v, rows_v, acc_sh, gsem):
        cid = lax.axis_index("c")
        sid = lax.axis_index("s")
        wid = sid * _NC + cid

        zero16 = jnp.zeros((16,), jnp.float32)

        def zb(i, carry):
            rows_v[i // (_D // 16), pl.ds((i % (_D // 16)) * 16, 16)] = zero16
            return carry

        lax.fori_loop(0, _CH * (_D // 16), zb, 0)
        r0 = sid * _STRIPE
        for j in range(_STRIPE // _CH):
            pltpu.sync_copy(rows_v, acc_sh.at[pl.ds(r0 + j * _CH, _CH)])

        pltpu.sync_copy(src_hbm.at[wid], src_v)
        pltpu.sync_copy(dst_hbm.at[wid], dst_v)
        plsc.subcore_barrier()

        def chunk(c, carry):
            pltpu.async_copy(x_hbm.at[src_v.at[pl.ds(c * _CH, _CH)]],
                             rows_v, gsem).wait()
            pltpu.sync_copy(rows_v, acc_sh.at[dst_v.at[c]], add=True)
            return carry

        lax.fori_loop(0, _C, chunk, 0)
        plsc.subcore_barrier()

        for j in range(_STRIPE // _CH):
            rr = r0 + j * _CH
            pltpu.sync_copy(acc_sh.at[pl.ds(rr, _CH)], rows_v)
            pltpu.sync_copy(rows_v, out_hbm.at[cid, pl.ds(rr, _CH)])

    return k(x, src_idx, dst_idx)


_BN = 1000


def _tc_body(x_ref, a0_ref, a1_ref, ew_ref, bt_ref, w1_ref, b1_ref, w2_ref,
             b2_ref, out_ref):
    h = x_ref[...] + a0_ref[...] + a1_ref[...]
    h = jnp.dot(h, w1_ref[...], preferred_element_type=jnp.float32) + b1_ref[...]
    h = jnp.maximum(h, 0.0)
    h = jnp.dot(h, w2_ref[...], preferred_element_type=jnp.float32) + b2_ref[...]
    bt = bt_ref[0, 0, :]
    ew = ew_ref[0, 0, :]
    gids = lax.broadcasted_iota(jnp.int32, (_G, _BN), 0)
    wgt = jnp.where(bt[None, :] == gids, ew[None, :], 0.0)
    contrib = jnp.dot(wgt, h, preferred_element_type=jnp.float32)

    @pl.when(pl.program_id(0) == 0)
    def _():
        out_ref[...] = jnp.zeros_like(out_ref)

    out_ref[...] += contrib


def _tc_mlp_pool(x, a0, a1, ew, bt, W1, b1, W2, b2):
    nb = _N // _BN
    return pl.pallas_call(
        _tc_body,
        grid=(nb,),
        in_specs=[
            pl.BlockSpec((_BN, _D), lambda i: (i, 0)),
            pl.BlockSpec((_BN, _D), lambda i: (i, 0)),
            pl.BlockSpec((_BN, _D), lambda i: (i, 0)),
            pl.BlockSpec((1, 1, _BN), lambda i: (i, 0, 0)),
            pl.BlockSpec((1, 1, _BN), lambda i: (i, 0, 0)),
            pl.BlockSpec((_D, _D), lambda i: (0, 0)),
            pl.BlockSpec((1, _D), lambda i: (0, 0)),
            pl.BlockSpec((_D, _D), lambda i: (0, 0)),
            pl.BlockSpec((1, _D), lambda i: (0, 0)),
        ],
        out_specs=pl.BlockSpec((_G, _D), lambda i: (0, 0)),
        out_shape=jax.ShapeDtypeStruct((_G, _D), jnp.float32),
    )(x, a0, a1, ew, bt, W1, b1, W2, b2)


def kernel(x, p, edge_index, batch, W1, b1, W2, b2):
    src = edge_index[0]
    dst = edge_index[1]
    pad = _E_PAD - _E
    srcp = jnp.concatenate([src, jnp.zeros((pad,), jnp.int32)])
    dummy = _N + jnp.arange(pad, dtype=jnp.int32) % (_ROWS - _N)
    dstp = jnp.concatenate([dst, dummy])
    src_idx = srcp.reshape(_NW, _C * _CH)
    dst_idx = dstp.reshape(_NW, _C, _CH)

    parts = _sc_agg(x, src_idx, dst_idx)

    nb = _N // _BN
    ew = p[:, 0].reshape(nb, 1, _BN)
    bt = batch.reshape(nb, 1, _BN)
    return _tc_mlp_pool(x, parts[0, :_N], parts[1, :_N], ew, bt,
                        W1, b1.reshape(1, _D), W2, b2.reshape(1, _D))

# --- scband reference (transcript-rebuilt; emitter-appended) ---
"""Pipeline reference for scband-efnto-global-10943576670837 (READ-ONLY COPY).

The authoritative reference and input builder live on the scoring server;
editing this copy changes nothing except your own understanding.
"""

import jax, jax.numpy as jnp
import numpy as np

N = 10000
E = 320000
D = 128
G = 16

def setup_inputs(seed: int = 0) -> dict:
    key = jax.random.key(seed)
    k1, k2, k3, k4, k5, k6 = jax.random.split(key, 6)
    x = jax.random.normal(k1, (N, D), dtype=jnp.float32)
    p = jax.random.uniform(k2, (N, 2), dtype=jnp.float32)
    edge_index = jax.random.randint(k3, (2, E), 0, N, dtype=jnp.int32)
    batch = jnp.sort(jax.random.randint(k4, (N,), 0, G, dtype=jnp.int32))
    W1 = jax.random.normal(k5, (D, D), dtype=jnp.float32) * 0.05
    b1 = jnp.zeros((D,), dtype=jnp.float32)
    W2 = jax.random.normal(k6, (D, D), dtype=jnp.float32) * 0.05
    b2 = jnp.zeros((D,), dtype=jnp.float32)
    return {"x": x, "p": p, "edge_index": edge_index, "batch": batch,
            "W1": W1, "b1": b1, "W2": W2, "b2": b2}

def reference(x, p, edge_index, batch, W1, b1, W2, b2):
    # PTConv (GIN-style message passing with aggr='add'):
    # gather neighbor features along edges, scatter-add to destination nodes,
    # then apply the per-node MLP `nn`.
    src = edge_index[0]
    dst = edge_index[1]
    msgs = jnp.take(x, src, axis=0)                       # gather  [E, D]
    agg = jax.ops.segment_sum(msgs, dst, num_segments=N)  # scatter-add [N, D]
    h = (x + agg) @ W1 + b1
    h = jax.nn.relu(h)
    h = h @ W2 + b2
    # x = e * x  with e = data.p[:, 0]  (per-node energy weight)
    e = p[:, 0:1]
    h = e * h
    # global_add_pool over the batch vector
    out = jax.ops.segment_sum(h, batch, num_segments=G)   # [G, D]
    return out

if __name__ == "__main__":
    import jax
    _d = setup_inputs()
    print(jax.jit(kernel)(*tuple(_d.values())))

</pallas_src>

<mosaic_0001>
#map = affine_map<(d0, d1) -> (0, 0)>
#map1 = affine_map<(d0, d1) -> (0, 0, 0)>
module attributes {stable_mosaic.version = 14 : i64} {
  func.func @k(%arg0: i32, %arg1: i32, %arg2: memref<10000x128xf32, #tpu.memory_space<hbm>>, %arg3: memref<32x10112xi32, #tpu.memory_space<hbm>>, %arg4: memref<32x79x128xi32, #tpu.memory_space<hbm>>, %arg5: memref<2x10240x128xf32, #tpu.memory_space<hbm>>, %arg6: memref<10112xi32, #tpu.memory_space<vmem>>, %arg7: memref<79x128xi32, #tpu.memory_space<vmem>>, %arg8: memref<128x128xf32, #tpu.memory_space<vmem>>, %arg9: memref<10240x128xf32, #tpu.memory_space<vmem_shared>>, %arg10: memref<!tpu.dma_semaphore, #tpu.memory_space<semaphore_mem>>) attributes {dimension_semantics = [#tpu.dimension_semantics<core_parallel>, #tpu.dimension_semantics<subcore_parallel>], iteration_bounds = array<i64: 2, 16>, scalar_prefetch = 0 : i64, scratch_operands = 5 : i64, tpu.core_type = #tpu.core_type<sc_vector_subcore>, window_params = [{transform_indices = #map}, {transform_indices = #map}, {transform_indices = #map1}, {transform_indices = #map1}]} {
    %mul3A = arith.constant 2 : i32
    %mul3A_0 = arith.muli %arg1, %mul3A : i32
    %add3A = arith.addi %mul3A_0, %arg0 : i32
    %broadcast_in_dim3A = arith.constant 0.000000e+00 : f32
    %broadcast_in_dim3A_1 = vector.broadcast %broadcast_in_dim3A : f32 to vector<16xf32>
    %scan3A = arith.constant 0 : i32
    %scan3A_2 = arith.constant 0 : i32
    %scan3A_3 = arith.constant 1024 : i32
    %scan3A_4 = arith.addi %scan3A_2, %scan3A_3 : i32
    %scan3A_5 = arith.constant 1 : i32
    scf.for %scan3A_36 = %scan3A_2 to %scan3A_4 step %scan3A_5  : i32 {
      %jit3A = arith.constant 8 : i32
      %div3A = arith.divsi %scan3A_36, %jit3A : i32
      %sign3A = arith.constant 0 : i32
      %sign3A_37 = arith.cmpi sgt, %scan3A_36, %sign3A : i32
      %sign3A_38 = arith.extui %sign3A_37 : i1 to i32
      %sign3A_39 = arith.constant 0 : i32
      %sign3A_40 = arith.cmpi slt, %scan3A_36, %sign3A_39 : i32
      %sign3A_41 = arith.extui %sign3A_40 : i1 to i32
      %sign3A_42 = arith.subi %sign3A_38, %sign3A_41 : i32
      %sign3A_43 = arith.constant 0 : i32
      %sign3A_44 = arith.cmpi sgt, %jit3A, %sign3A_43 : i32
      %sign3A_45 = arith.extui %sign3A_44 : i1 to i32
      %sign3A_46 = arith.constant 0 : i32
      %sign3A_47 = arith.cmpi slt, %jit3A, %sign3A_46 : i32
      %sign3A_48 = arith.extui %sign3A_47 : i1 to i32
      %sign3A_49 = arith.subi %sign3A_45, %sign3A_48 : i32
      %ne3A = arith.cmpi ne, %sign3A_42, %sign3A_49 : i32
      %rem3A = arith.remsi %scan3A_36, %jit3A : i32
      %ne3A_50 = arith.constant 0 : i32
      %ne3A_51 = arith.cmpi ne, %rem3A, %ne3A_50 : i32
      %and3A = arith.andi %ne3A, %ne3A_51 : i1
      %sub3A = arith.constant 1 : i32
      %sub3A_52 = arith.subi %div3A, %sub3A : i32
      %select_n3A = arith.select %and3A, %sub3A_52, %div3A : i32
      %jit3A_53 = arith.constant 8 : i32
      %eq3A = arith.constant 0 : i32
      %eq3A_54 = arith.cmpi eq, %jit3A_53, %eq3A : i32
      %jit3A_55 = arith.constant 1 : i32
      %select_n3A_56 = arith.select %eq3A_54, %jit3A_55, %jit3A_53 : i32
      %rem3A_57 = arith.remsi %scan3A_36, %select_n3A_56 : i32
      %ne3A_58 = arith.constant 0 : i32
      %ne3A_59 = arith.cmpi ne, %rem3A_57, %ne3A_58 : i32
      %lt3A = arith.constant 0 : i32
      %lt3A_60 = arith.cmpi slt, %rem3A_57, %lt3A : i32
      %lt3A_61 = arith.constant 0 : i32
      %lt3A_62 = arith.cmpi slt, %select_n3A_56, %lt3A_61 : i32
      %ne3A_63 = arith.xori %lt3A_60, %lt3A_62 : i1
      %and3A_64 = arith.andi %ne3A_63, %ne3A_59 : i1
      %add3A_65 = arith.addi %rem3A_57, %select_n3A_56 : i32
      %select_n3A_66 = arith.select %and3A_64, %add3A_65, %rem3A_57 : i32
      %mul3A_67 = arith.constant 16 : i32
      %mul3A_68 = arith.muli %select_n3A_66, %mul3A_67 : i32
      %swap3A = arith.index_cast %select_n3A : i32 to index
      %swap3A_69 = arith.index_cast %mul3A_68 : i32 to index
      %swap3A_70 = tpu.vector_load %arg8[%swap3A, %swap3A_69] {strides = array<i32>} : memref<128x128xf32, #tpu.memory_space<vmem>>, vector<1x16xf32>,
      %swap3A_71 = vector.shape_cast %swap3A_70 : vector<1x16xf32> to vector<16xf32>
      %swap3A_72 = vector.shape_cast %broadcast_in_dim3A_1 : vector<16xf32> to vector<1x16xf32>
      tpu.vector_store %arg8[%swap3A, %swap3A_69], %swap3A_72 {strides = array<i32>} : memref<128x128xf32, #tpu.memory_space<vmem>>, vector<1x16xf32>,
    }
    %scan3A_6 = arith.constant 1024 : i32
    %mul3A_7 = arith.constant 640 : i32
    %mul3A_8 = arith.muli %arg1, %mul3A_7 : i32
    %add3A_9 = arith.constant 0 : i32
    %add3A_10 = arith.addi %mul3A_8, %add3A_9 : i32
    "tpu.region"() ({
      %run_scoped3A = tpu.sem_alloc : memref<!tpu.dma_semaphore, #tpu.memory_space<semaphore_mem>>
      %dma_start3A = arith.constant 0 : i32
      %dma_start3A_36 = tpu.memref_slice %arg9[%add3A_10, %dma_start3A] : memref<10240x128xf32, #tpu.memory_space<vmem_shared>> -> memref<128x128xf32, #tpu.memory_space<vmem_shared>>
      %dma_start3A_37 = arith.constant 0 : i32
      %dma_start3A_38 = tpu.memref_slice %arg9[%add3A_10, %dma_start3A_37] : memref<10240x128xf32, #tpu.memory_space<vmem_shared>> -> memref<128x128xf32, #tpu.memory_space<vmem_shared>>
      tpu.enqueue_dma source(%arg8 : memref<128x128xf32, #tpu.memory_space<vmem>>) target(%dma_start3A_38 : memref<128x128xf32, #tpu.memory_space<vmem_shared>>) target_semaphore(%run_scoped3A : memref<!tpu.dma_semaphore, #tpu.memory_space<semaphore_mem>>)
      %dma_wait3A = arith.constant 0 : i32
      %dma_wait3A_39 = tpu.memref_slice %arg9[%add3A_10, %dma_wait3A] : memref<10240x128xf32, #tpu.memory_space<vmem_shared>> -> memref<128x128xf32, #tpu.memory_space<vmem_shared>>
      %dma_wait3A_40 = arith.constant 0 : i32
      %dma_wait3A_41 = tpu.memref_slice %arg9[%add3A_10, %dma_wait3A_40] : memref<10240x128xf32, #tpu.memory_space<vmem_shared>> -> memref<128x128xf32, #tpu.memory_space<vmem_shared>>
      tpu.wait_dma2 semaphore(%run_scoped3A : memref<!tpu.dma_semaphore, #tpu.memory_space<semaphore_mem>>) src(%arg8 : memref<128x128xf32, #tpu.memory_space<vmem>>) dst(%dma_wait3A_41 : memref<128x128xf32, #tpu.memory_space<vmem_shared>>)
      tpu.yield
    }) : () -> ()
    %add3A_11 = arith.constant 128 : i32
    %add3A_12 = arith.addi %mul3A_8, %add3A_11 : i32
    "tpu.region"() ({
      %run_scoped3A = tpu.sem_alloc : memref<!tpu.dma_semaphore, #tpu.memory_space<semaphore_mem>>
      %dma_start3A = arith.constant 0 : i32
      %dma_start3A_36 = tpu.memref_slice %arg9[%add3A_12, %dma_start3A] : memref<10240x128xf32, #tpu.memory_space<vmem_shared>> -> memref<128x128xf32, #tpu.memory_space<vmem_shared>>
      %dma_start3A_37 = arith.constant 0 : i32
      %dma_start3A_38 = tpu.memref_slice %arg9[%add3A_12, %dma_start3A_37] : memref<10240x128xf32, #tpu.memory_space<vmem_shared>> -> memref<128x128xf32, #tpu.memory_space<vmem_shared>>
      tpu.enqueue_dma source(%arg8 : memref<128x128xf32, #tpu.memory_space<vmem>>) target(%dma_start3A_38 : memref<128x128xf32, #tpu.memory_space<vmem_shared>>) target_semaphore(%run_scoped3A : memref<!tpu.dma_semaphore, #tpu.memory_space<semaphore_mem>>)
      %dma_wait3A = arith.constant 0 : i32
      %dma_wait3A_39 = tpu.memref_slice %arg9[%add3A_12, %dma_wait3A] : memref<10240x128xf32, #tpu.memory_space<vmem_shared>> -> memref<128x128xf32, #tpu.memory_space<vmem_shared>>
      %dma_wait3A_40 = arith.constant 0 : i32
      %dma_wait3A_41 = tpu.memref_slice %arg9[%add3A_12, %dma_wait3A_40] : memref<10240x128xf32, #tpu.memory_space<vmem_shared>> -> memref<128x128xf32, #tpu.memory_space<vmem_shared>>
      tpu.wait_dma2 semaphore(%run_scoped3A : memref<!tpu.dma_semaphore, #tpu.memory_space<semaphore_mem>>) src(%arg8 : memref<128x128xf32, #tpu.memory_space<vmem>>) dst(%dma_wait3A_41 : memref<128x128xf32, #tpu.memory_space<vmem_shared>>)
      tpu.yield
    }) : () -> ()
    %add3A_13 = arith.constant 256 : i32
    %add3A_14 = arith.addi %mul3A_8, %add3A_13 : i32
    "tpu.region"() ({
      %run_scoped3A = tpu.sem_alloc : memref<!tpu.dma_semaphore, #tpu.memory_space<semaphore_mem>>
      %dma_start3A = arith.constant 0 : i32
      %dma_start3A_36 = tpu.memref_slice %arg9[%add3A_14, %dma_start3A] : memref<10240x128xf32, #tpu.memory_space<vmem_shared>> -> memref<128x128xf32, #tpu.memory_space<vmem_shared>>
      %dma_start3A_37 = arith.constant 0 : i32
      %dma_start3A_38 = tpu.memref_slice %arg9[%add3A_14, %dma_start3A_37] : memref<10240x128xf32, #tpu.memory_space<vmem_shared>> -> memref<128x128xf32, #tpu.memory_space<vmem_shared>>
      tpu.enqueue_dma source(%arg8 : memref<128x128xf32, #tpu.memory_space<vmem>>) target(%dma_start3A_38 : memref<128x128xf32, #tpu.memory_space<vmem_shared>>) target_semaphore(%run_scoped3A : memref<!tpu.dma_semaphore, #tpu.memory_space<semaphore_mem>>)
      %dma_wait3A = arith.constant 0 : i32
      %dma_wait3A_39 = tpu.memref_slice %arg9[%add3A_14, %dma_wait3A] : memref<10240x128xf32, #tpu.memory_space<vmem_shared>> -> memref<128x128xf32, #tpu.memory_space<vmem_shared>>
      %dma_wait3A_40 = arith.constant 0 : i32
      %dma_wait3A_41 = tpu.memref_slice %arg9[%add3A_14, %dma_wait3A_40] : memref<10240x128xf32, #tpu.memory_space<vmem_shared>> -> memref<128x128xf32, #tpu.memory_space<vmem_shared>>
      tpu.wait_dma2 semaphore(%run_scoped3A : memref<!tpu.dma_semaphore, #tpu.memory_space<semaphore_mem>>) src(%arg8 : memref<128x128xf32, #tpu.memory_space<vmem>>) dst(%dma_wait3A_41 : memref<128x128xf32, #tpu.memory_space<vmem_shared>>)
      tpu.yield
    }) : () -> ()
    %add3A_15 = arith.constant 384 : i32
    %add3A_16 = arith.addi %mul3A_8, %add3A_15 : i32
    "tpu.region"() ({
      %run_scoped3A = tpu.sem_alloc : memref<!tpu.dma_semaphore, #tpu.memory_space<semaphore_mem>>
      %dma_start3A = arith.constant 0 : i32
      %dma_start3A_36 = tpu.memref_slice %arg9[%add3A_16, %dma_start3A] : memref<10240x128xf32, #tpu.memory_space<vmem_shared>> -> memref<128x128xf32, #tpu.memory_space<vmem_shared>>
      %dma_start3A_37 = arith.constant 0 : i32
      %dma_start3A_38 = tpu.memref_slice %arg9[%add3A_16, %dma_start3A_37] : memref<10240x128xf32, #tpu.memory_space<vmem_shared>> -> memref<128x128xf32, #tpu.memory_space<vmem_shared>>
      tpu.enqueue_dma source(%arg8 : memref<128x128xf32, #tpu.memory_space<vmem>>) target(%dma_start3A_38 : memref<128x128xf32, #tpu.memory_space<vmem_shared>>) target_semaphore(%run_scoped3A : memref<!tpu.dma_semaphore, #tpu.memory_space<semaphore_mem>>)
      %dma_wait3A = arith.constant 0 : i32
      %dma_wait3A_39 = tpu.memref_slice %arg9[%add3A_16, %dma_wait3A] : memref<10240x128xf32, #tpu.memory_space<vmem_shared>> -> memref<128x128xf32, #tpu.memory_space<vmem_shared>>
      %dma_wait3A_40 = arith.constant 0 : i32
      %dma_wait3A_41 = tpu.memref_slice %arg9[%add3A_16, %dma_wait3A_40] : memref<10240x128xf32, #tpu.memory_space<vmem_shared>> -> memref<128x128xf32, #tpu.memory_space<vmem_shared>>
      tpu.wait_dma2 semaphore(%run_scoped3A : memref<!tpu.dma_semaphore, #tpu.memory_space<semaphore_mem>>) src(%arg8 : memref<128x128xf32, #tpu.memory_space<vmem>>) dst(%dma_wait3A_41 : memref<128x128xf32, #tpu.memory_space<vmem_shared>>)
      tpu.yield
    }) : () -> ()
    %add3A_17 = arith.constant 512 : i32
    %add3A_18 = arith.addi %mul3A_8, %add3A_17 : i32
    "tpu.region"() ({
      %run_scoped3A = tpu.sem_alloc : memref<!tpu.dma_semaphore, #tpu.memory_space<semaphore_mem>>
      %dma_start3A = arith.constant 0 : i32
      %dma_start3A_36 = tpu.memref_slice %arg9[%add3A_18, %dma_start3A] : memref<10240x128xf32, #tpu.memory_space<vmem_shared>> -> memref<128x128xf32, #tpu.memory_space<vmem_shared>>
      %dma_start3A_37 = arith.constant 0 : i32
      %dma_start3A_38 = tpu.memref_slice %arg9[%add3A_18, %dma_start3A_37] : memref<10240x128xf32, #tpu.memory_space<vmem_shared>> -> memref<128x128xf32, #tpu.memory_space<vmem_shared>>
      tpu.enqueue_dma source(%arg8 : memref<128x128xf32, #tpu.memory_space<vmem>>) target(%dma_start3A_38 : memref<128x128xf32, #tpu.memory_space<vmem_shared>>) target_semaphore(%run_scoped3A : memref<!tpu.dma_semaphore, #tpu.memory_space<semaphore_mem>>)
      %dma_wait3A = arith.constant 0 : i32
      %dma_wait3A_39 = tpu.memref_slice %arg9[%add3A_18, %dma_wait3A] : memref<10240x128xf32, #tpu.memory_space<vmem_shared>> -> memref<128x128xf32, #tpu.memory_space<vmem_shared>>
      %dma_wait3A_40 = arith.constant 0 : i32
      %dma_wait3A_41 = tpu.memref_slice %arg9[%add3A_18, %dma_wait3A_40] : memref<10240x128xf32, #tpu.memory_space<vmem_shared>> -> memref<128x128xf32, #tpu.memory_space<vmem_shared>>
      tpu.wait_dma2 semaphore(%run_scoped3A : memref<!tpu.dma_semaphore, #tpu.memory_space<semaphore_mem>>) src(%arg8 : memref<128x128xf32, #tpu.memory_space<vmem>>) dst(%dma_wait3A_41 : memref<128x128xf32, #tpu.memory_space<vmem_shared>>)
      tpu.yield
    }) : () -> ()
    "tpu.region"() ({
      %run_scoped3A = tpu.sem_alloc : memref<!tpu.dma_semaphore, #tpu.memory_space<semaphore_mem>>
      %dma_start3A = arith.constant 0 : i32
      %dma_start3A_36 = tpu.memref_slice %arg3[%add3A, %dma_start3A] : memref<32x10112xi32, #tpu.memory_space<hbm>> -> memref<1x10112xi32, #tpu.memory_space<hbm>>
      %dma_start3A_37 = tpu.memref_squeeze %dma_start3A_36 : memref<1x10112xi32, #tpu.memory_space<hbm>> -> memref<10112xi32, #tpu.memory_space<hbm>>
      %dma_start3A_38 = arith.constant 0 : i32
      %dma_start3A_39 = tpu.memref_slice %arg3[%add3A, %dma_start3A_38] : memref<32x10112xi32, #tpu.memory_space<hbm>> -> memref<1x10112xi32, #tpu.memory_space<hbm>>
      %dma_start3A_40 = tpu.memref_squeeze %dma_start3A_39 : memref<1x10112xi32, #tpu.memory_space<hbm>> -> memref<10112xi32, #tpu.memory_space<hbm>>
      tpu.enqueue_dma source(%dma_start3A_40 : memref<10112xi32, #tpu.memory_space<hbm>>) target(%arg6 : memref<10112xi32, #tpu.memory_space<vmem>>) target_semaphore(%run_scoped3A : memref<!tpu.dma_semaphore, #tpu.memory_space<semaphore_mem>>)
      %dma_wait3A = arith.constant 0 : i32
      %dma_wait3A_41 = tpu.memref_slice %arg3[%add3A, %dma_wait3A] : memref<32x10112xi32, #tpu.memory_space<hbm>> -> memref<1x10112xi32, #tpu.memory_space<hbm>>
      %dma_wait3A_42 = tpu.memref_squeeze %dma_wait3A_41 : memref<1x10112xi32, #tpu.memory_space<hbm>> -> memref<10112xi32, #tpu.memory_space<hbm>>
      %dma_wait3A_43 = arith.constant 0 : i32
      %dma_wait3A_44 = tpu.memref_slice %arg3[%add3A, %dma_wait3A_43] : memref<32x10112xi32, #tpu.memory_space<hbm>> -> memref<1x10112xi32, #tpu.memory_space<hbm>>
      %dma_wait3A_45 = tpu.memref_squeeze %dma_wait3A_44 : memref<1x10112xi32, #tpu.memory_space<hbm>> -> memref<10112xi32, #tpu.memory_space<hbm>>
      tpu.wait_dma2 semaphore(%run_scoped3A : memref<!tpu.dma_semaphore, #tpu.memory_space<semaphore_mem>>) src(%dma_wait3A_45 : memref<10112xi32, #tpu.memory_space<hbm>>) dst(%arg6 : memref<10112xi32, #tpu.memory_space<vmem>>)
      tpu.yield
    }) : () -> ()
    "tpu.region"() ({
      %run_scoped3A = tpu.sem_alloc : memref<!tpu.dma_semaphore, #tpu.memory_space<semaphore_mem>>
      %dma_start3A = arith.constant 0 : i32
      %dma_start3A_36 = arith.constant 0 : i32
      %dma_start3A_37 = tpu.memref_slice %arg4[%add3A, %dma_start3A, %dma_start3A_36] : memref<32x79x128xi32, #tpu.memory_space<hbm>> -> memref<1x79x128xi32, #tpu.memory_space<hbm>>
      %dma_start3A_38 = tpu.memref_squeeze %dma_start3A_37 : memref<1x79x128xi32, #tpu.memory_space<hbm>> -> memref<79x128xi32, #tpu.memory_space<hbm>>
      %dma_start3A_39 = arith.constant 0 : i32
      %dma_start3A_40 = arith.constant 0 : i32
      %dma_start3A_41 = tpu.memref_slice %arg4[%add3A, %dma_start3A_39, %dma_start3A_40] : memref<32x79x128xi32, #tpu.memory_space<hbm>> -> memref<1x79x128xi32, #tpu.memory_space<hbm>>
      %dma_start3A_42 = tpu.memref_squeeze %dma_start3A_41 : memref<1x79x128xi32, #tpu.memory_space<hbm>> -> memref<79x128xi32, #tpu.memory_space<hbm>>
      tpu.enqueue_dma source(%dma_start3A_42 : memref<79x128xi32, #tpu.memory_space<hbm>>) target(%arg7 : memref<79x128xi32, #tpu.memory_space<vmem>>) target_semaphore(%run_scoped3A : memref<!tpu.dma_semaphore, #tpu.memory_space<semaphore_mem>>)
      %dma_wait3A = arith.constant 0 : i32
      %dma_wait3A_43 = arith.constant 0 : i32
      %dma_wait3A_44 = tpu.memref_slice %arg4[%add3A, %dma_wait3A, %dma_wait3A_43] : memref<32x79x128xi32, #tpu.memory_space<hbm>> -> memref<1x79x128xi32, #tpu.memory_space<hbm>>
      %dma_wait3A_45 = tpu.memref_squeeze %dma_wait3A_44 : memref<1x79x128xi32, #tpu.memory_space<hbm>> -> memref<79x128xi32, #tpu.memory_space<hbm>>
      %dma_wait3A_46 = arith.constant 0 : i32
      %dma_wait3A_47 = arith.constant 0 : i32
      %dma_wait3A_48 = tpu.memref_slice %arg4[%add3A, %dma_wait3A_46, %dma_wait3A_47] : memref<32x79x128xi32, #tpu.memory_space<hbm>> -> memref<1x79x128xi32, #tpu.memory_space<hbm>>
      %dma_wait3A_49 = tpu.memref_squeeze %dma_wait3A_48 : memref<1x79x128xi32, #tpu.memory_space<hbm>> -> memref<79x128xi32, #tpu.memory_space<hbm>>
      tpu.wait_dma2 semaphore(%run_scoped3A : memref<!tpu.dma_semaphore, #tpu.memory_space<semaphore_mem>>) src(%dma_wait3A_49 : memref<79x128xi32, #tpu.memory_space<hbm>>) dst(%arg7 : memref<79x128xi32, #tpu.memory_space<vmem>>)
      tpu.yield
    }) : () -> ()
    %barrier3A = arith.constant 0 : index
    tpu.barrier barrier_id(%barrier3A)
    %scan3A_19 = arith.constant 0 : i32
    %scan3A_20 = arith.constant 0 : i32
    %scan3A_21 = arith.constant 79 : i32
    %scan3A_22 = arith.addi %scan3A_20, %scan3A_21 : i32
    %scan3A_23 = arith.constant 1 : i32
    scf.for %scan3A_36 = %scan3A_20 to %scan3A_22 step %scan3A_23  : i32 {
      %mul3A_37 = arith.constant 128 : i32
      %mul3A_38 = arith.muli %scan3A_36, %mul3A_37 : i32
      %dma_start3A = tpu.memref_slice %arg6[%mul3A_38] : memref<10112xi32, #tpu.memory_space<vmem>> -> memref<128xi32, #tpu.memory_space<vmem>>
      %dma_start3A_39 = arith.constant 0 : i32
      %dma_start3A_40 = arith.constant 0 : i32
      %dma_start3A_41 = tpu.memref_slice %arg2[%dma_start3A_39, %dma_start3A_40] : memref<10000x128xf32, #tpu.memory_space<hbm>> -> memref<10000x128xf32, #tpu.memory_space<hbm>>
      tpu.enqueue_indirect_dma source(%dma_start3A_41 : memref<10000x128xf32, #tpu.memory_space<hbm>>) target(%arg8 : memref<128x128xf32, #tpu.memory_space<vmem>>) offsets(%dma_start3A : memref<128xi32, #tpu.memory_space<vmem>>) semaphore(%arg10 : memref<!tpu.dma_semaphore, #tpu.memory_space<semaphore_mem>>)
      %dma_wait3A = tpu.memref_slice %arg6[%mul3A_38] : memref<10112xi32, #tpu.memory_space<vmem>> -> memref<128xi32, #tpu.memory_space<vmem>>
      %dma_wait3A_42 = arith.constant 0 : i32
      %dma_wait3A_43 = arith.constant 0 : i32
      %dma_wait3A_44 = tpu.memref_slice %arg2[%dma_wait3A_42, %dma_wait3A_43] : memref<10000x128xf32, #tpu.memory_space<hbm>> -> memref<10000x128xf32, #tpu.memory_space<hbm>>
      tpu.wait_indirect_dma semaphore(%arg10 : memref<!tpu.dma_semaphore, #tpu.memory_space<semaphore_mem>>) src(%dma_wait3A_44 : memref<10000x128xf32, #tpu.memory_space<hbm>>) dst(%arg8 : memref<128x128xf32, #tpu.memory_space<vmem>>)
      "tpu.region"() ({
        %run_scoped3A = tpu.sem_alloc : memref<!tpu.dma_semaphore, #tpu.memory_space<semaphore_mem>>
        %dma_start3A_45 = arith.constant 0 : i32
        %dma_start3A_46 = tpu.memref_slice %arg7[%scan3A_36, %dma_start3A_45] : memref<79x128xi32, #tpu.memory_space<vmem>> -> memref<1x128xi32, #tpu.memory_space<vmem>>
        %dma_start3A_47 = tpu.memref_squeeze %dma_start3A_46 : memref<1x128xi32, #tpu.memory_space<vmem>> -> memref<128xi32, #tpu.memory_space<vmem>>
        %dma_start3A_48 = arith.constant 0 : i32
        %dma_start3A_49 = arith.constant 0 : i32
        %dma_start3A_50 = tpu.memref_slice %arg9[%dma_start3A_48, %dma_start3A_49] : memref<10240x128xf32, #tpu.memory_space<vmem_shared>> -> memref<10240x128xf32, #tpu.memory_space<vmem_shared>>
        tpu.enqueue_indirect_dma source(%arg8 : memref<128x128xf32, #tpu.memory_space<vmem>>) target(%dma_start3A_50 : memref<10240x128xf32, #tpu.memory_space<vmem_shared>>) offsets(%dma_start3A_47 : memref<128xi32, #tpu.memory_space<vmem>>) semaphore(%run_scoped3A : memref<!tpu.dma_semaphore, #tpu.memory_space<semaphore_mem>>) {add = true}
        %dma_wait3A_51 = arith.constant 0 : i32
        %dma_wait3A_52 = tpu.memref_slice %arg7[%scan3A_36, %dma_wait3A_51] : memref<79x128xi32, #tpu.memory_space<vmem>> -> memref<1x128xi32, #tpu.memory_space<vmem>>
        %dma_wait3A_53 = tpu.memref_squeeze %dma_wait3A_52 : memref<1x128xi32, #tpu.memory_space<vmem>> -> memref<128xi32, #tpu.memory_space<vmem>>
        %dma_wait3A_54 = arith.constant 0 : i32
        %dma_wait3A_55 = arith.constant 0 : i32
        %dma_wait3A_56 = tpu.memref_slice %arg9[%dma_wait3A_54, %dma_wait3A_55] : memref<10240x128xf32, #tpu.memory_space<vmem_shared>> -> memref<10240x128xf32, #tpu.memory_space<vmem_shared>>
        tpu.wait_indirect_dma semaphore(%run_scoped3A : memref<!tpu.dma_semaphore, #tpu.memory_space<semaphore_mem>>) src(%arg8 : memref<128x128xf32, #tpu.memory_space<vmem>>) dst(%dma_wait3A_56 : memref<10240x128xf32, #tpu.memory_space<vmem_shared>>)
        tpu.yield
      }) : () -> ()
    }
    %scan3A_24 = arith.constant 79 : i32
    %barrier3A_25 = arith.constant 0 : index
    tpu.barrier barrier_id(%barrier3A_25)
    %add3A_26 = arith.constant 0 : i32
    %add3A_27 = arith.addi %mul3A_8, %add3A_26 : i32
    "tpu.region"() ({
      %run_scoped3A = tpu.sem_alloc : memref<!tpu.dma_semaphore, #tpu.memory_space<semaphore_mem>>
      %dma_start3A = arith.constant 0 : i32
      %dma_start3A_36 = tpu.memref_slice %arg9[%add3A_27, %dma_start3A] : memref<10240x128xf32, #tpu.memory_space<vmem_shared>> -> memref<128x128xf32, #tpu.memory_space<vmem_shared>>
      %dma_start3A_37 = arith.constant 0 : i32
      %dma_start3A_38 = tpu.memref_slice %arg9[%add3A_27, %dma_start3A_37] : memref<10240x128xf32, #tpu.memory_space<vmem_shared>> -> memref<128x128xf32, #tpu.memory_space<vmem_shared>>
      tpu.enqueue_dma source(%dma_start3A_38 : memref<128x128xf32, #tpu.memory_space<vmem_shared>>) target(%arg8 : memref<128x128xf32, #tpu.memory_space<vmem>>) target_semaphore(%run_scoped3A : memref<!tpu.dma_semaphore, #tpu.memory_space<semaphore_mem>>)
      %dma_wait3A = arith.constant 0 : i32
      %dma_wait3A_39 = tpu.memref_slice %arg9[%add3A_27, %dma_wait3A] : memref<10240x128xf32, #tpu.memory_space<vmem_shared>> -> memref<128x128xf32, #tpu.memory_space<vmem_shared>>
      %dma_wait3A_40 = arith.constant 0 : i32
      %dma_wait3A_41 = tpu.memref_slice %arg9[%add3A_27, %dma_wait3A_40] : memref<10240x128xf32, #tpu.memory_space<vmem_shared>> -> memref<128x128xf32, #tpu.memory_space<vmem_shared>>
      tpu.wait_dma2 semaphore(%run_scoped3A : memref<!tpu.dma_semaphore, #tpu.memory_space<semaphore_mem>>) src(%dma_wait3A_41 : memref<128x128xf32, #tpu.memory_space<vmem_shared>>) dst(%arg8 : memref<128x128xf32, #tpu.memory_space<vmem>>)
      tpu.yield
    }) : () -> ()
    "tpu.region"() ({
      %run_scoped3A = tpu.sem_alloc : memref<!tpu.dma_semaphore, #tpu.memory_space<semaphore_mem>>
      %dma_start3A = arith.constant 0 : i32
      %dma_start3A_36 = tpu.memref_slice %arg5[%arg0, %add3A_27, %dma_start3A] : memref<2x10240x128xf32, #tpu.memory_space<hbm>> -> memref<1x128x128xf32, #tpu.memory_space<hbm>>
      %dma_start3A_37 = tpu.memref_squeeze %dma_start3A_36 : memref<1x128x128xf32, #tpu.memory_space<hbm>> -> memref<128x128xf32, #tpu.memory_space<hbm>>
      %dma_start3A_38 = arith.constant 0 : i32
      %dma_start3A_39 = tpu.memref_slice %arg5[%arg0, %add3A_27, %dma_start3A_38] : memref<2x10240x128xf32, #tpu.memory_space<hbm>> -> memref<1x128x128xf32, #tpu.memory_space<hbm>>
      %dma_start3A_40 = tpu.memref_squeeze %dma_start3A_39 : memref<1x128x128xf32, #tpu.memory_space<hbm>> -> memref<128x128xf32, #tpu.memory_space<hbm>>
      tpu.enqueue_dma source(%arg8 : memref<128x128xf32, #tpu.memory_space<vmem>>) target(%dma_start3A_40 : memref<128x128xf32, #tpu.memory_space<hbm>>) target_semaphore(%run_scoped3A : memref<!tpu.dma_semaphore, #tpu.memory_space<semaphore_mem>>)
      %dma_wait3A = arith.constant 0 : i32
      %dma_wait3A_41 = tpu.memref_slice %arg5[%arg0, %add3A_27, %dma_wait3A] : memref<2x10240x128xf32, #tpu.memory_space<hbm>> -> memref<1x128x128xf32, #tpu.memory_space<hbm>>
      %dma_wait3A_42 = tpu.memref_squeeze %dma_wait3A_41 : memref<1x128x128xf32, #tpu.memory_space<hbm>> -> memref<128x128xf32, #tpu.memory_space<hbm>>
      %dma_wait3A_43 = arith.constant 0 : i32
      %dma_wait3A_44 = tpu.memref_slice %arg5[%arg0, %add3A_27, %dma_wait3A_43] : memref<2x10240x128xf32, #tpu.memory_space<hbm>> -> memref<1x128x128xf32, #tpu.memory_space<hbm>>
      %dma_wait3A_45 = tpu.memref_squeeze %dma_wait3A_44 : memref<1x128x128xf32, #tpu.memory_space<hbm>> -> memref<128x128xf32, #tpu.memory_space<hbm>>
      tpu.wait_dma2 semaphore(%run_scoped3A : memref<!tpu.dma_semaphore, #tpu.memory_space<semaphore_mem>>) src(%arg8 : memref<128x128xf32, #tpu.memory_space<vmem>>) dst(%dma_wait3A_45 : memref<128x128xf32, #tpu.memory_space<hbm>>)
      tpu.yield
    }) : () -> ()
    %add3A_28 = arith.constant 128 : i32
    %add3A_29 = arith.addi %mul3A_8, %add3A_28 : i32
    "tpu.region"() ({
      %run_scoped3A = tpu.sem_alloc : memref<!tpu.dma_semaphore, #tpu.memory_space<semaphore_mem>>
      %dma_start3A = arith.constant 0 : i32
      %dma_start3A_36 = tpu.memref_slice %arg9[%add3A_29, %dma_start3A] : memref<10240x128xf32, #tpu.memory_space<vmem_shared>> -> memref<128x128xf32, #tpu.memory_space<vmem_shared>>
      %dma_start3A_37 = arith.constant 0 : i32
      %dma_start3A_38 = tpu.memref_slice %arg9[%add3A_29, %dma_start3A_37] : memref<10240x128xf32, #tpu.memory_space<vmem_shared>> -> memref<128x128xf32, #tpu.memory_space<vmem_shared>>
      tpu.enqueue_dma source(%dma_start3A_38 : memref<128x128xf32, #tpu.memory_space<vmem_shared>>) target(%arg8 : memref<128x128xf32, #tpu.memory_space<vmem>>) target_semaphore(%run_scoped3A : memref<!tpu.dma_semaphore, #tpu.memory_space<semaphore_mem>>)
      %dma_wait3A = arith.constant 0 : i32
      %dma_wait3A_39 = tpu.memref_slice %arg9[%add3A_29, %dma_wait3A] : memref<10240x128xf32, #tpu.memory_space<vmem_shared>> -> memref<128x128xf32, #tpu.memory_space<vmem_shared>>
      %dma_wait3A_40 = arith.constant 0 : i32
      %dma_wait3A_41 = tpu.memref_slice %arg9[%add3A_29, %dma_wait3A_40] : memref<10240x128xf32, #tpu.memory_space<vmem_shared>> -> memref<128x128xf32, #tpu.memory_space<vmem_shared>>
      tpu.wait_dma2 semaphore(%run_scoped3A : memref<!tpu.dma_semaphore, #tpu.memory_space<semaphore_mem>>) src(%dma_wait3A_41 : memref<128x128xf32, #tpu.memory_space<vmem_shared>>) dst(%arg8 : memref<128x128xf32, #tpu.memory_space<vmem>>)
      tpu.yield
    }) : () -> ()
    "tpu.region"() ({
      %run_scoped3A = tpu.sem_alloc : memref<!tpu.dma_semaphore, #tpu.memory_space<semaphore_mem>>
      %dma_start3A = arith.constant 0 : i32
      %dma_start3A_36 = tpu.memref_slice %arg5[%arg0, %add3A_29, %dma_start3A] : memref<2x10240x128xf32, #tpu.memory_space<hbm>> -> memref<1x128x128xf32, #tpu.memory_space<hbm>>
      %dma_start3A_37 = tpu.memref_squeeze %dma_start3A_36 : memref<1x128x128xf32, #tpu.memory_space<hbm>> -> memref<128x128xf32, #tpu.memory_space<hbm>>
      %dma_start3A_38 = arith.constant 0 : i32
      %dma_start3A_39 = tpu.memref_slice %arg5[%arg0, %add3A_29, %dma_start3A_38] : memref<2x10240x128xf32, #tpu.memory_space<hbm>> -> memref<1x128x128xf32, #tpu.memory_space<hbm>>
      %dma_start3A_40 = tpu.memref_squeeze %dma_start3A_39 : memref<1x128x128xf32, #tpu.memory_space<hbm>> -> memref<128x128xf32, #tpu.memory_space<hbm>>
      tpu.enqueue_dma source(%arg8 : memref<128x128xf32, #tpu.memory_space<vmem>>) target(%dma_start3A_40 : memref<128x128xf32, #tpu.memory_space<hbm>>) target_semaphore(%run_scoped3A : memref<!tpu.dma_semaphore, #tpu.memory_space<semaphore_mem>>)
      %dma_wait3A = arith.constant 0 : i32
      %dma_wait3A_41 = tpu.memref_slice %arg5[%arg0, %add3A_29, %dma_wait3A] : memref<2x10240x128xf32, #tpu.memory_space<hbm>> -> memref<1x128x128xf32, #tpu.memory_space<hbm>>
      %dma_wait3A_42 = tpu.memref_squeeze %dma_wait3A_41 : memref<1x128x128xf32, #tpu.memory_space<hbm>> -> memref<128x128xf32, #tpu.memory_space<hbm>>
      %dma_wait3A_43 = arith.constant 0 : i32
      %dma_wait3A_44 = tpu.memref_slice %arg5[%arg0, %add3A_29, %dma_wait3A_43] : memref<2x10240x128xf32, #tpu.memory_space<hbm>> -> memref<1x128x128xf32, #tpu.memory_space<hbm>>
      %dma_wait3A_45 = tpu.memref_squeeze %dma_wait3A_44 : memref<1x128x128xf32, #tpu.memory_space<hbm>> -> memref<128x128xf32, #tpu.memory_space<hbm>>
      tpu.wait_dma2 semaphore(%run_scoped3A : memref<!tpu.dma_semaphore, #tpu.memory_space<semaphore_mem>>) src(%arg8 : memref<128x128xf32, #tpu.memory_space<vmem>>) dst(%dma_wait3A_45 : memref<128x128xf32, #tpu.memory_space<hbm>>)
      tpu.yield
    }) : () -> ()
    %add3A_30 = arith.constant 256 : i32
    %add3A_31 = arith.addi %mul3A_8, %add3A_30 : i32
    "tpu.region"() ({
      %run_scoped3A = tpu.sem_alloc : memref<!tpu.dma_semaphore, #tpu.memory_space<semaphore_mem>>
      %dma_start3A = arith.constant 0 : i32
      %dma_start3A_36 = tpu.memref_slice %arg9[%add3A_31, %dma_start3A] : memref<10240x128xf32, #tpu.memory_space<vmem_shared>> -> memref<128x128xf32, #tpu.memory_space<vmem_shared>>
      %dma_start3A_37 = arith.constant 0 : i32
      %dma_start3A_38 = tpu.memref_slice %arg9[%add3A_31, %dma_start3A_37] : memref<10240x128xf32, #tpu.memory_space<vmem_shared>> -> memref<128x128xf32, #tpu.memory_space<vmem_shared>>
      tpu.enqueue_dma source(%dma_start3A_38 : memref<128x128xf32, #tpu.memory_space<vmem_shared>>) target(%arg8 : memref<128x128xf32, #tpu.memory_space<vmem>>) target_semaphore(%run_scoped3A : memref<!tpu.dma_semaphore, #tpu.memory_space<semaphore_mem>>)
      %dma_wait3A = arith.constant 0 : i32
      %dma_wait3A_39 = tpu.memref_slice %arg9[%add3A_31, %dma_wait3A] : memref<10240x128xf32, #tpu.memory_space<vmem_shared>> -> memref<128x128xf32, #tpu.memory_space<vmem_shared>>
      %dma_wait3A_40 = arith.constant 0 : i32
      %dma_wait3A_41 = tpu.memref_slice %arg9[%add3A_31, %dma_wait3A_40] : memref<10240x128xf32, #tpu.memory_space<vmem_shared>> -> memref<128x128xf32, #tpu.memory_space<vmem_shared>>
      tpu.wait_dma2 semaphore(%run_scoped3A : memref<!tpu.dma_semaphore, #tpu.memory_space<semaphore_mem>>) src(%dma_wait3A_41 : memref<128x128xf32, #tpu.memory_space<vmem_shared>>) dst(%arg8 : memref<128x128xf32, #tpu.memory_space<vmem>>)
      tpu.yield
    }) : () -> ()
    "tpu.region"() ({
      %run_scoped3A = tpu.sem_alloc : memref<!tpu.dma_semaphore, #tpu.memory_space<semaphore_mem>>
      %dma_start3A = arith.constant 0 : i32
      %dma_start3A_36 = tpu.memref_slice %arg5[%arg0, %add3A_31, %dma_start3A] : memref<2x10240x128xf32, #tpu.memory_space<hbm>> -> memref<1x128x128xf32, #tpu.memory_space<hbm>>
      %dma_start3A_37 = tpu.memref_squeeze %dma_start3A_36 : memref<1x128x128xf32, #tpu.memory_space<hbm>> -> memref<128x128xf32, #tpu.memory_space<hbm>>
      %dma_start3A_38 = arith.constant 0 : i32
      %dma_start3A_39 = tpu.memref_slice %arg5[%arg0, %add3A_31, %dma_start3A_38] : memref<2x10240x128xf32, #tpu.memory_space<hbm>> -> memref<1x128x128xf32, #tpu.memory_space<hbm>>
      %dma_start3A_40 = tpu.memref_squeeze %dma_start3A_39 : memref<1x128x128xf32, #tpu.memory_space<hbm>> -> memref<128x128xf32, #tpu.memory_space<hbm>>
      tpu.enqueue_dma source(%arg8 : memref<128x128xf32, #tpu.memory_space<vmem>>) target(%dma_start3A_40 : memref<128x128xf32, #tpu.memory_space<hbm>>) target_semaphore(%run_scoped3A : memref<!tpu.dma_semaphore, #tpu.memory_space<semaphore_mem>>)
      %dma_wait3A = arith.constant 0 : i32
      %dma_wait3A_41 = tpu.memref_slice %arg5[%arg0, %add3A_31, %dma_wait3A] : memref<2x10240x128xf32, #tpu.memory_space<hbm>> -> memref<1x128x128xf32, #tpu.memory_space<hbm>>
      %dma_wait3A_42 = tpu.memref_squeeze %dma_wait3A_41 : memref<1x128x128xf32, #tpu.memory_space<hbm>> -> memref<128x128xf32, #tpu.memory_space<hbm>>
      %dma_wait3A_43 = arith.constant 0 : i32
      %dma_wait3A_44 = tpu.memref_slice %arg5[%arg0, %add3A_31, %dma_wait3A_43] : memref<2x10240x128xf32, #tpu.memory_space<hbm>> -> memref<1x128x128xf32, #tpu.memory_space<hbm>>
      %dma_wait3A_45 = tpu.memref_squeeze %dma_wait3A_44 : memref<1x128x128xf32, #tpu.memory_space<hbm>> -> memref<128x128xf32, #tpu.memory_space<hbm>>
      tpu.wait_dma2 semaphore(%run_scoped3A : memref<!tpu.dma_semaphore, #tpu.memory_space<semaphore_mem>>) src(%arg8 : memref<128x128xf32, #tpu.memory_space<vmem>>) dst(%dma_wait3A_45 : memref<128x128xf32, #tpu.memory_space<hbm>>)
      tpu.yield
    }) : () -> ()
    %add3A_32 = arith.constant 384 : i32
    %add3A_33 = arith.addi %mul3A_8, %add3A_32 : i32
    "tpu.region"() ({
      %run_scoped3A = tpu.sem_alloc : memref<!tpu.dma_semaphore, #tpu.memory_space<semaphore_mem>>
      %dma_start3A = arith.constant 0 : i32
      %dma_start3A_36 = tpu.memref_slice %arg9[%add3A_33, %dma_start3A] : memref<10240x128xf32, #tpu.memory_space<vmem_shared>> -> memref<128x128xf32, #tpu.memory_space<vmem_shared>>
      %dma_start3A_37 = arith.constant 0 : i32
      %dma_start3A_38 = tpu.memref_slice %arg9[%add3A_33, %dma_start3A_37] : memref<10240x128xf32, #tpu.memory_space<vmem_shared>> -> memref<128x128xf32, #tpu.memory_space<vmem_shared>>
      tpu.enqueue_dma source(%dma_start3A_38 : memref<128x128xf32, #tpu.memory_space<vmem_shared>>) target(%arg8 : memref<128x128xf32, #tpu.memory_space<vmem>>) target_semaphore(%run_scoped3A : memref<!tpu.dma_semaphore, #tpu.memory_space<semaphore_mem>>)
      %dma_wait3A = arith.constant 0 : i32
      %dma_wait3A_39 = tpu.memref_slice %arg9[%add3A_33, %dma_wait3A] : memref<10240x128xf32, #tpu.memory_space<vmem_shared>> -> memref<128x128xf32, #tpu.memory_space<vmem_shared>>
      %dma_wait3A_40 = arith.constant 0 : i32
      %dma_wait3A_41 = tpu.memref_slice %arg9[%add3A_33, %dma_wait3A_40] : memref<10240x128xf32, #tpu.memory_space<vmem_shared>> -> memref<128x128xf32, #tpu.memory_space<vmem_shared>>
      tpu.wait_dma2 semaphore(%run_scoped3A : memref<!tpu.dma_semaphore, #tpu.memory_space<semaphore_mem>>) src(%dma_wait3A_41 : memref<128x128xf32, #tpu.memory_space<vmem_shared>>) dst(%arg8 : memref<128x128xf32, #tpu.memory_space<vmem>>)
      tpu.yield
    }) : () -> ()
    "tpu.region"() ({
      %run_scoped3A = tpu.sem_alloc : memref<!tpu.dma_semaphore, #tpu.memory_space<semaphore_mem>>
      %dma_start3A = arith.constant 0 : i32
      %dma_start3A_36 = tpu.memref_slice %arg5[%arg0, %add3A_33, %dma_start3A] : memref<2x10240x128xf32, #tpu.memory_space<hbm>> -> memref<1x128x128xf32, #tpu.memory_space<hbm>>
      %dma_start3A_37 = tpu.memref_squeeze %dma_start3A_36 : memref<1x128x128xf32, #tpu.memory_space<hbm>> -> memref<128x128xf32, #tpu.memory_space<hbm>>
      %dma_start3A_38 = arith.constant 0 : i32
      %dma_start3A_39 = tpu.memref_slice %arg5[%arg0, %add3A_33, %dma_start3A_38] : memref<2x10240x128xf32, #tpu.memory_space<hbm>> -> memref<1x128x128xf32, #tpu.memory_space<hbm>>
      %dma_start3A_40 = tpu.memref_squeeze %dma_start3A_39 : memref<1x128x128xf32, #tpu.memory_space<hbm>> -> memref<128x128xf32, #tpu.memory_space<hbm>>
      tpu.enqueue_dma source(%arg8 : memref<128x128xf32, #tpu.memory_space<vmem>>) target(%dma_start3A_40 : memref<128x128xf32, #tpu.memory_space<hbm>>) target_semaphore(%run_scoped3A : memref<!tpu.dma_semaphore, #tpu.memory_space<semaphore_mem>>)
      %dma_wait3A = arith.constant 0 : i32
      %dma_wait3A_41 = tpu.memref_slice %arg5[%arg0, %add3A_33, %dma_wait3A] : memref<2x10240x128xf32, #tpu.memory_space<hbm>> -> memref<1x128x128xf32, #tpu.memory_space<hbm>>
      %dma_wait3A_42 = tpu.memref_squeeze %dma_wait3A_41 : memref<1x128x128xf32, #tpu.memory_space<hbm>> -> memref<128x128xf32, #tpu.memory_space<hbm>>
      %dma_wait3A_43 = arith.constant 0 : i32
      %dma_wait3A_44 = tpu.memref_slice %arg5[%arg0, %add3A_33, %dma_wait3A_43] : memref<2x10240x128xf32, #tpu.memory_space<hbm>> -> memref<1x128x128xf32, #tpu.memory_space<hbm>>
      %dma_wait3A_45 = tpu.memref_squeeze %dma_wait3A_44 : memref<1x128x128xf32, #tpu.memory_space<hbm>> -> memref<128x128xf32, #tpu.memory_space<hbm>>
      tpu.wait_dma2 semaphore(%run_scoped3A : memref<!tpu.dma_semaphore, #tpu.memory_space<semaphore_mem>>) src(%arg8 : memref<128x128xf32, #tpu.memory_space<vmem>>) dst(%dma_wait3A_45 : memref<128x128xf32, #tpu.memory_space<hbm>>)
      tpu.yield
    }) : () -> ()
    %add3A_34 = arith.constant 512 : i32
    %add3A_35 = arith.addi %mul3A_8, %add3A_34 : i32
    "tpu.region"() ({
      %run_scoped3A = tpu.sem_alloc : memref<!tpu.dma_semaphore, #tpu.memory_space<semaphore_mem>>
      %dma_start3A = arith.constant 0 : i32
      %dma_start3A_36 = tpu.memref_slice %arg9[%add3A_35, %dma_start3A] : memref<10240x128xf32, #tpu.memory_space<vmem_shared>> -> memref<128x128xf32, #tpu.memory_space<vmem_shared>>
      %dma_start3A_37 = arith.constant 0 : i32
      %dma_start3A_38 = tpu.memref_slice %arg9[%add3A_35, %dma_start3A_37] : memref<10240x128xf32, #tpu.memory_space<vmem_shared>> -> memref<128x128xf32, #tpu.memory_space<vmem_shared>>
      tpu.enqueue_dma source(%dma_start3A_38 : memref<128x128xf32, #tpu.memory_space<vmem_shared>>) target(%arg8 : memref<128x128xf32, #tpu.memory_space<vmem>>) target_semaphore(%run_scoped3A : memref<!tpu.dma_semaphore, #tpu.memory_space<semaphore_mem>>)
      %dma_wait3A = arith.constant 0 : i32
      %dma_wait3A_39 = tpu.memref_slice %arg9[%add3A_35, %dma_wait3A] : memref<10240x128xf32, #tpu.memory_space<vmem_shared>> -> memref<128x128xf32, #tpu.memory_space<vmem_shared>>
      %dma_wait3A_40 = arith.constant 0 : i32
      %dma_wait3A_41 = tpu.memref_slice %arg9[%add3A_35, %dma_wait3A_40] : memref<10240x128xf32, #tpu.memory_space<vmem_shared>> -> memref<128x128xf32, #tpu.memory_space<vmem_shared>>
      tpu.wait_dma2 semaphore(%run_scoped3A : memref<!tpu.dma_semaphore, #tpu.memory_space<semaphore_mem>>) src(%dma_wait3A_41 : memref<128x128xf32, #tpu.memory_space<vmem_shared>>) dst(%arg8 : memref<128x128xf32, #tpu.memory_space<vmem>>)
      tpu.yield
    }) : () -> ()
    "tpu.region"() ({
      %run_scoped3A = tpu.sem_alloc : memref<!tpu.dma_semaphore, #tpu.memory_space<semaphore_mem>>
      %dma_start3A = arith.constant 0 : i32
      %dma_start3A_36 = tpu.memref_slice %arg5[%arg0, %add3A_35, %dma_start3A] : memref<2x10240x128xf32, #tpu.memory_space<hbm>> -> memref<1x128x128xf32, #tpu.memory_space<hbm>>
      %dma_start3A_37 = tpu.memref_squeeze %dma_start3A_36 : memref<1x128x128xf32, #tpu.memory_space<hbm>> -> memref<128x128xf32, #tpu.memory_space<hbm>>
      %dma_start3A_38 = arith.constant 0 : i32
      %dma_start3A_39 = tpu.memref_slice %arg5[%arg0, %add3A_35, %dma_start3A_38] : memref<2x10240x128xf32, #tpu.memory_space<hbm>> -> memref<1x128x128xf32, #tpu.memory_space<hbm>>
      %dma_start3A_40 = tpu.memref_squeeze %dma_start3A_39 : memref<1x128x128xf32, #tpu.memory_space<hbm>> -> memref<128x128xf32, #tpu.memory_space<hbm>>
      tpu.enqueue_dma source(%arg8 : memref<128x128xf32, #tpu.memory_space<vmem>>) target(%dma_start3A_40 : memref<128x128xf32, #tpu.memory_space<hbm>>) target_semaphore(%run_scoped3A : memref<!tpu.dma_semaphore, #tpu.memory_space<semaphore_mem>>)
      %dma_wait3A = arith.constant 0 : i32
      %dma_wait3A_41 = tpu.memref_slice %arg5[%arg0, %add3A_35, %dma_wait3A] : memref<2x10240x128xf32, #tpu.memory_space<hbm>> -> memref<1x128x128xf32, #tpu.memory_space<hbm>>
      %dma_wait3A_42 = tpu.memref_squeeze %dma_wait3A_41 : memref<1x128x128xf32, #tpu.memory_space<hbm>> -> memref<128x128xf32, #tpu.memory_space<hbm>>
      %dma_wait3A_43 = arith.constant 0 : i32
      %dma_wait3A_44 = tpu.memref_slice %arg5[%arg0, %add3A_35, %dma_wait3A_43] : memref<2x10240x128xf32, #tpu.memory_space<hbm>> -> memref<1x128x128xf32, #tpu.memory_space<hbm>>
      %dma_wait3A_45 = tpu.memref_squeeze %dma_wait3A_44 : memref<1x128x128xf32, #tpu.memory_space<hbm>> -> memref<128x128xf32, #tpu.memory_space<hbm>>
      tpu.wait_dma2 semaphore(%run_scoped3A : memref<!tpu.dma_semaphore, #tpu.memory_space<semaphore_mem>>) src(%arg8 : memref<128x128xf32, #tpu.memory_space<vmem>>) dst(%dma_wait3A_45 : memref<128x128xf32, #tpu.memory_space<hbm>>)
      tpu.yield
    }) : () -> ()
    return
  }
}

module attributes {stable_mosaic.version = 14 : i64} {
  func.func @_tc_body(%arg0: i32, %arg1: memref<1000x128xf32, #tpu.memory_space<vmem>>, %arg2: memref<1000x128xf32, #tpu.memory_space<vmem>>, %arg3: memref<1000x128xf32, #tpu.memory_space<vmem>>, %arg4: memref<1x1x1000xf32, #tpu.memory_space<vmem>>, %arg5: memref<1x1x1000xi32, #tpu.memory_space<vmem>>, %arg6: memref<128x128xf32, #tpu.memory_space<vmem>>, %arg7: memref<1x128xf32, #tpu.memory_space<vmem>>, %arg8: memref<128x128xf32, #tpu.memory_space<vmem>>, %arg9: memref<1x128xf32, #tpu.memory_space<vmem>>, %arg10: memref<16x128xf32, #tpu.memory_space<vmem>>) attributes {dimension_semantics = [#tpu.dimension_semantics<arbitrary>], iteration_bounds = array<i64: 10>, scalar_prefetch = 0 : i64, scratch_operands = 0 : i64, tpu.core_type = #tpu.core_type<tc>, window_params = [{transform_indices = @transform_0, window_bounds = array<i64: 1000, 128>}, {transform_indices = @transform_1, window_bounds = array<i64: 1000, 128>}, {transform_indices = @transform_2, window_bounds = array<i64: 1000, 128>}, {transform_indices = @transform_3, window_bounds = array<i64: 1, 1, 1000>}, {transform_indices = @transform_4, window_bounds = array<i64: 1, 1, 1000>}, {pipeline_mode = #tpu.pipeline_mode<synchronous>, transform_indices = @transform_5, window_bounds = array<i64: 128, 128>}, {pipeline_mode = #tpu.pipeline_mode<synchronous>, transform_indices = @transform_6, window_bounds = array<i64: 1, 128>}, {pipeline_mode = #tpu.pipeline_mode<synchronous>, transform_indices = @transform_7, window_bounds = array<i64: 128, 128>}, {pipeline_mode = #tpu.pipeline_mode<synchronous>, transform_indices = @transform_8, window_bounds = array<i64: 1, 128>}, {pipeline_mode = #tpu.pipeline_mode<synchronous>, transform_indices = @transform_9, window_bounds = array<i64: 16, 128>}]} {
    %get3A = arith.constant 0 : index
    %get3A_0 = arith.constant 0 : index
    %get3A_1 = vector.load %arg1[%get3A, %get3A_0] : memref<1000x128xf32, #tpu.memory_space<vmem>>, vector<1000x128xf32>
    %get3A_2 = arith.constant 0 : index
    %get3A_3 = arith.constant 0 : index
    %get3A_4 = vector.load %arg2[%get3A_2, %get3A_3] : memref<1000x128xf32, #tpu.memory_space<vmem>>, vector<1000x128xf32>
    %add3A = arith.addf %get3A_1, %get3A_4 : vector<1000x128xf32>
    %get3A_5 = arith.constant 0 : index
    %get3A_6 = arith.constant 0 : index
    %get3A_7 = vector.load %arg3[%get3A_5, %get3A_6] : memref<1000x128xf32, #tpu.memory_space<vmem>>, vector<1000x128xf32>
    %add3A_8 = arith.addf %add3A, %get3A_7 : vector<1000x128xf32>
    %get3A_9 = arith.constant 0 : index
    %get3A_10 = arith.constant 0 : index
    %get3A_11 = vector.load %arg6[%get3A_9, %get3A_10] : memref<128x128xf32, #tpu.memory_space<vmem>>, vector<128x128xf32>
    %dot_general3A = arith.constant dense<0.000000e+00> : vector<1000x128xf32>
    %dot_general3A_12 = tpu.matmul %add3A_8, %get3A_11, %dot_general3A {dimension_numbers = #tpu.dot_dimension_numbers<[1], [0], [0], [1], [0, 0, 1, 1], [], []>, transpose_lhs_hint = false} : vector<1000x128xf32>, vector<128x128xf32>, vector<1000x128xf32> -> vector<1000x128xf32>
    %get3A_13 = arith.constant 0 : index
    %get3A_14 = arith.constant 0 : index
    %get3A_15 = vector.load %arg7[%get3A_13, %get3A_14] : memref<1x128xf32, #tpu.memory_space<vmem>>, vector<1x128xf32>
    %add3A_16 = vector.broadcast %get3A_15 : vector<1x128xf32> to vector<1000x128xf32>
    %add3A_17 = arith.addf %dot_general3A_12, %add3A_16 : vector<1000x128xf32>
    %max3A = arith.constant 0.000000e+00 : f32
    %max3A_18 = vector.broadcast %max3A : f32 to vector<1000x128xf32>
    %max3A_19 = arith.maximumf %add3A_17, %max3A_18 : vector<1000x128xf32>
    %get3A_20 = arith.constant 0 : index
    %get3A_21 = arith.constant 0 : index
    %get3A_22 = vector.load %arg8[%get3A_20, %get3A_21] : memref<128x128xf32, #tpu.memory_space<vmem>>, vector<128x128xf32>
    %dot_general3A_23 = arith.constant dense<0.000000e+00> : vector<1000x128xf32>
    %dot_general3A_24 = tpu.matmul %max3A_19, %get3A_22, %dot_general3A_23 {dimension_numbers = #tpu.dot_dimension_numbers<[1], [0], [0], [1], [0, 0, 1, 1], [], []>, transpose_lhs_hint = false} : vector<1000x128xf32>, vector<128x128xf32>, vector<1000x128xf32> -> vector<1000x128xf32>
    %get3A_25 = arith.constant 0 : index
    %get3A_26 = arith.constant 0 : index
    %get3A_27 = vector.load %arg9[%get3A_25, %get3A_26] : memref<1x128xf32, #tpu.memory_space<vmem>>, vector<1x128xf32>
    %add3A_28 = vector.broadcast %get3A_27 : vector<1x128xf32> to vector<1000x128xf32>
    %add3A_29 = arith.addf %dot_general3A_24, %add3A_28 : vector<1000x128xf32>
    %get3A_30 = arith.constant 0 : index
    %get3A_31 = arith.constant 0 : index
    %get3A_32 = arith.constant 0 : index
    %get3A_33 = vector.load %arg5[%get3A_30, %get3A_31, %get3A_32] : memref<1x1x1000xi32, #tpu.memory_space<vmem>>, vector<1x1x1000xi32>
    %get3A_34 = vector.shape_cast %get3A_33 : vector<1x1x1000xi32> to vector<1000xi32>
    %get3A_35 = arith.constant 0 : index
    %get3A_36 = arith.constant 0 : index
    %get3A_37 = arith.constant 0 : index
    %get3A_38 = vector.load %arg4[%get3A_35, %get3A_36, %get3A_37] : memref<1x1x1000xf32, #tpu.memory_space<vmem>>, vector<1x1x1000xf32>
    %get3A_39 = vector.shape_cast %get3A_38 : vector<1x1x1000xf32> to vector<1000xf32>
    %iota3A = tpu.iota {dimensions = array<i32: 0>} : vector<16x1000xi32>
    %broadcast_in_dim3A = vector.shape_cast %get3A_34 : vector<1000xi32> to vector<1x1000xi32>
    %eq3A = vector.broadcast %broadcast_in_dim3A : vector<1x1000xi32> to vector<16x1000xi32>
    %eq3A_40 = arith.cmpi eq, %eq3A, %iota3A : vector<16x1000xi32>
    %broadcast_in_dim3A_41 = vector.shape_cast %get3A_39 : vector<1000xf32> to vector<1x1000xf32>
    %jit3A = arith.constant 0.000000e+00 : f32
    %broadcast_in_dim3A_42 = vector.shape_cast %broadcast_in_dim3A_41 : vector<1x1000xf32> to vector<1x1000xf32>
    %broadcast_in_dim3A_43 = vector.broadcast %broadcast_in_dim3A_42 : vector<1x1000xf32> to vector<16x1000xf32>
    %broadcast_in_dim3A_44 = vector.broadcast %jit3A : f32 to vector<16x1000xf32>
    %select_n3A = arith.select %eq3A_40, %broadcast_in_dim3A_43, %broadcast_in_dim3A_44 : vector<16x1000xi1>, vector<16x1000xf32>
    %dot_general3A_45 = arith.constant dense<0.000000e+00> : vector<16x128xf32>
    %dot_general3A_46 = tpu.matmul %select_n3A, %add3A_29, %dot_general3A_45 {dimension_numbers = #tpu.dot_dimension_numbers<[1], [0], [0], [1], [0, 0, 1, 1], [], []>, transpose_lhs_hint = false} : vector<16x1000xf32>, vector<1000x128xf32>, vector<16x128xf32> -> vector<16x128xf32>
    %eq3A_47 = arith.constant 0 : i32
    %eq3A_48 = arith.cmpi eq, %arg0, %eq3A_47 : i32
    %convert_element_type3A = arith.extui %eq3A_48 : i1 to i32
    %cond3A = arith.constant 0 : i32
    %cond3A_49 = arith.cmpi ne, %convert_element_type3A, %cond3A : i32
    scf.if %cond3A_49 {
      %broadcast_in_dim3A_56 = arith.constant 0.000000e+00 : f32
      %broadcast_in_dim3A_57 = vector.broadcast %broadcast_in_dim3A_56 : f32 to vector<16x128xf32>
      %swap3A_58 = arith.constant 0 : index
      %swap3A_59 = arith.constant 0 : index
      %swap3A_60 = vector.load %arg10[%swap3A_58, %swap3A_59] : memref<16x128xf32, #tpu.memory_space<vmem>>, vector<16x128xf32>
      tpu.vector_store %arg10[%swap3A_58, %swap3A_59], %broadcast_in_dim3A_57 {strides = array<i32>} : memref<16x128xf32, #tpu.memory_space<vmem>>, vector<16x128xf32>,
    } else {
    }
    %get3A_50 = arith.constant 0 : index
    %get3A_51 = arith.constant 0 : index
    %get3A_52 = vector.load %arg10[%get3A_50, %get3A_51] : memref<16x128xf32, #tpu.memory_space<vmem>>, vector<16x128xf32>
    %add3A_53 = arith.addf %get3A_52, %dot_general3A_46 : vector<16x128xf32>
    %swap3A = arith.constant 0 : index
    %swap3A_54 = arith.constant 0 : index
    %swap3A_55 = vector.load %arg10[%swap3A, %swap3A_54] : memref<16x128xf32, #tpu.memory_space<vmem>>, vector<16x128xf32>
    tpu.vector_store %arg10[%swap3A, %swap3A_54], %add3A_53 {strides = array<i32>} : memref<16x128xf32, #tpu.memory_space<vmem>>, vector<16x128xf32>,
    return
  }
  func.func @transform_0(%arg0: i32) -> (i32, i32) {
    %c0_i32 = arith.constant 0 : i32
    %c0_i32_0 = arith.constant 0 : i32
    return %arg0, %c0_i32 : i32, i32
  }
  func.func @transform_1(%arg0: i32) -> (i32, i32) {
    %c0_i32 = arith.constant 0 : i32
    %c0_i32_0 = arith.constant 0 : i32
    return %arg0, %c0_i32 : i32, i32
  }
  func.func @transform_2(%arg0: i32) -> (i32, i32) {
    %c0_i32 = arith.constant 0 : i32
    %c0_i32_0 = arith.constant 0 : i32
    return %arg0, %c0_i32 : i32, i32
  }
  func.func @transform_3(%arg0: i32) -> (i32, i32, i32) {
    %c0_i32 = arith.constant 0 : i32
    %c0_i32_0 = arith.constant 0 : i32
    %c0_i32_1 = arith.constant 0 : i32
    return %arg0, %c0_i32, %c0_i32_0 : i32, i32, i32
  }
  func.func @transform_4(%arg0: i32) -> (i32, i32, i32) {
    %c0_i32 = arith.constant 0 : i32
    %c0_i32_0 = arith.constant 0 : i32
    %c0_i32_1 = arith.constant 0 : i32
    return %arg0, %c0_i32, %c0_i32_0 : i32, i32, i32
  }
  func.func @transform_5(%arg0: i32) -> (i32, i32) {
    %c0_i32 = arith.constant 0 : i32
    %c0_i32_0 = arith.constant 0 : i32
    %c0_i32_1 = arith.constant 0 : i32
    return %c0_i32, %c0_i32_0 : i32, i32
  }
  func.func @transform_6(%arg0: i32) -> (i32, i32) {
    %c0_i32 = arith.constant 0 : i32
    %c0_i32_0 = arith.constant 0 : i32
    %c0_i32_1 = arith.constant 0 : i32
    return %c0_i32, %c0_i32_0 : i32, i32
  }
  func.func @transform_7(%arg0: i32) -> (i32, i32) {
    %c0_i32 = arith.constant 0 : i32
    %c0_i32_0 = arith.constant 0 : i32
    %c0_i32_1 = arith.constant 0 : i32
    return %c0_i32, %c0_i32_0 : i32, i32
  }
  func.func @transform_8(%arg0: i32) -> (i32, i32) {
    %c0_i32 = arith.constant 0 : i32
    %c0_i32_0 = arith.constant 0 : i32
    %c0_i32_1 = arith.constant 0 : i32
    return %c0_i32, %c0_i32_0 : i32, i32
  }
  func.func @transform_9(%arg0: i32) -> (i32, i32) {
    %c0_i32 = arith.constant 0 : i32
    %c0_i32_0 = arith.constant 0 : i32
    %c0_i32_1 = arith.constant 0 : i32
    return %c0_i32, %c0_i32_0 : i32, i32
  }
}

</mosaic_0001>

<sc_bundles>
// kernel: kernel.4.cloned.1.call-start
scs
__scs_entry_jumppad:
0x0: {  	(pc) =	sbr.rel $0x88, $3  }
0x1: {  	(tag) =	ssettag $0x0;
	lr =	simm.s32 $0x1  }
0x2: {  	[smem:$0x3F99] =	sst lr;
	_ =	strace $0xD0000000  }
0x3: {  	_ = 	snop  }
0x4: {  	_ = 	snop  }
0x5: {  	_ = 	snop  }
0x6: {  	_ = 	snop  }
0x7: {  	_ = 	snop  }
__scs_overlays_trampoline_lowered:
0x8: {  	[smem:$0x3FA8] =	sst s0  }
0x9: {  	[smem:$0x3FA9] =	sst s1  }
0xa: {  	[smem:$0x3FAA] =	sst s2  }
0xb: {  	[smem:$0x3FAB] =	sst s3  }
0xc: {  	[smem:$0x3FAC] =	sst s4  }
0xd: {  	[smem:$0x3FAD] =	sst s5  }
0xe: {  	[smem:$0x3FAE] =	sst s6  }
0xf: {  	[smem:$0x3FAF] =	sst s7  }
0x10: {  	[smem:$0x3FB0] =	sst s8  }
0x11: {  	[smem:$0x3FB1] =	sst s9;
	s0 =	simm.s32 @!p0 $0x0  }
0x12: {  	s1 =	sld [smem:$0x3F97];
	s0 =	simm.s32 @p0 $0x1  }
0x13: {  	[smem:$0x3FB2] =	sst s0;
	s0 =	simm.s32 @!p1 $0x0  }
0x14: {  	s2 =	sld [smem:$0x3F96];
	s0 =	simm.s32 @p1 $0x1  }
0x15: {  	[smem:$0x3FB3] =	sst s0;
	s0 =	simm.s32 @!p2 $0x0  }
0x16: {  	s3 =	sld [smem:$0x3FDB];
	s0 =	simm.s32 @p2 $0x1  }
0x17: {  	s4 =	simm.s32 $0x1BF5;
	[smem:$0x3FB5] =	sst s0  }
0x18: {  	s0 =	sld [smem:$0x3F98];
	_ =	swait.ge [sflag:s4], $0x0  }
0x19: {  	s7 =	sld [smem:$0x3F99]  }
0x1a: {  	s8 =	sadd.s32 $0xFFFFE003, lr  }
0x1b: {  	s9 =	sadd.s32 $0xFFFFFEF7, lr;
	s5 =	simm.s32 $0xFFFFFFFF;
	p2 =	slt.u32 s8, $0xFFFFF086  }
0x1c: {  	p1 =	slt.u32 s9, $0xF7A;
	s5 =	simm.s32 @!p2 $0x0  }
0x1d: {  	s5 =	simm.s32 @p1 $0x1;
	p0 =	seq.s32 s7, s2  }
0x1e: {  	s7 =	smul.u32 @!p0 $0xF7A, s2;
	p2 =	seq.s32 @!p0 s5, $0x0  }
0x1f: {  	s9 =	smul.u32 $0xF7A, s1;
	s8 =	simm.s32 @!p0 $0x1BF5;
	p2 =	por !p2, p0  }
0x20: {  	[sflag:s8] =	ssyncset.s32 @!p0 $0xFFFFF086;
	s6 =	sadd.s32 @!p0 s3, s7;
	s7 =	simm.s32 @!p0 $0x108  }
0x21: {  	s3 =	sadd.s32 s3, s9;
	s6 =	sadd.s32 @!p0 $0x88, s6;
	s7 =	simm.s32 @p2 $0x1082  }
0x22: {  	[simem:s7], [sflag:s8] =	dma.local @!p0 [hbm:s6], $0xF7A  }
0x23: {  	s9 =	sor.u32 $0xD0000000, s2;
	s6 =	simm.s32 $0x108;
	_ =	swait.ge @!p0 [sflag:s8], $0x0  }
0x24: {  	s3 =	sadd.s32 $0x88, s3;
	s6 =	simm.s32 @!p1 $0x1082;
	[sflag:s4] =	ssyncset.s32 $0xFFFFF086  }
0x25: {  	[simem:s6], [sflag:s4] =	dma.local [hbm:s3], $0xF7A  }
0x26: {  	[smem:$0x3F99] =	sst s1;
	(tag) =	ssettag s2;
	_ =	strace s9  }
0x27: {  	s1 =	sld [smem:$0x3FA9]  }
0x28: {  	s2 =	sld [smem:$0x3FAA]  }
0x29: {  	s4 =	sld [smem:$0x3FAC]  }
0x2a: {  	p0 =	seq.s32 s5, $0x0;
	s5 =	sld [smem:$0x3FAD]  }
0x2b: {  	s6 =	sld [smem:$0x3FAE]  }
0x2c: {  	s7 =	sld [smem:$0x3FAF]  }
0x2d: {  	s3 =	simm.s32 $0x108;
	s8 =	sld [smem:$0x3FB0]  }
0x2e: {  	s3 =	simm.s32 @!p0 $0x1082;
	s9 =	sld [smem:$0x3FB1]  }
0x2f: {  	lr =	sadd.s32 s0, s3;
	s0 =	sld [smem:$0x3FA8]  }
0x30: {  	s3 =	sld [smem:$0x3FAB]  }
0x31: {  	[smem:$0x3FB4] =	sst s10  }
0x32: {  	s10 =	sld [smem:$0x3FB2];
	_ =	sdelay $0x3  }
0x33: {  	p0 =	seq.s32 s10, $0x1;
	s10 =	sld [smem:$0x3FB4];
	_ =	sdelay $0x3  }
0x34: {  	[smem:$0x3FB4] =	sst s10  }
0x35: {  	s10 =	sld [smem:$0x3FB3];
	_ =	sdelay $0x3  }
0x36: {  	p1 =	seq.s32 s10, $0x1;
	s10 =	sld [smem:$0x3FB4];
	_ =	sdelay $0x3  }
0x37: {  	[smem:$0x3FB4] =	sst s10  }
0x38: {  	s10 =	sld [smem:$0x3FB5]  }
0x39: {  	_ = 	snop;
	(pc) =	sbr.ind lr, $3  }
0x3a: {  	_ = 	snop  }
0x3b: {  	_ = 	snop  }
0x3c: {  	p2 =	seq.s32 s10, $0x1;
	s10 =	sld [smem:$0x3FB4]  }
0x3d: {  	_ =	shalt  }
0x3e: {  	_ =	shalt  }
0x3f: {  	_ =	shalt  }
0x40: {  	_ =	shalt  }
0x41: {  	_ =	shalt  }
0x42: {  	_ =	shalt  }
0x43: {  	_ =	shalt  }
0x44: {  	_ =	shalt  }
0x45: {  	_ =	shalt  }
0x46: {  	_ =	shalt  }
0x47: {  	_ =	shalt  }
0x48: {  	_ =	shalt  }
0x49: {  	_ =	shalt  }
0x4a: {  	_ =	shalt  }
0x4b: {  	_ =	shalt  }
0x4c: {  	_ =	shalt  }
0x4d: {  	_ =	shalt  }
0x4e: {  	_ =	shalt  }
0x4f: {  	_ =	shalt  }
0x50: {  	_ =	shalt  }
0x51: {  	_ =	shalt  }
0x52: {  	_ =	shalt  }
0x53: {  	_ =	shalt  }
0x54: {  	_ =	shalt  }
0x55: {  	_ =	shalt  }
0x56: {  	_ =	shalt  }
0x57: {  	_ =	shalt  }
0x58: {  	_ =	shalt  }
0x59: {  	_ =	shalt  }
0x5a: {  	_ =	shalt  }
0x5b: {  	_ =	shalt  }
0x5c: {  	_ =	shalt  }
0x5d: {  	_ =	shalt  }
0x5e: {  	_ =	shalt  }
0x5f: {  	_ =	shalt  }
0x60: {  	_ =	shalt  }
0x61: {  	_ =	shalt  }
0x62: {  	_ =	shalt  }
0x63: {  	_ =	shalt  }
0x64: {  	_ =	shalt  }
0x65: {  	_ =	shalt  }
0x66: {  	_ =	shalt  }
0x67: {  	_ =	shalt  }
0x68: {  	_ =	shalt  }
0x69: {  	_ =	shalt  }
0x6a: {  	_ =	shalt  }
0x6b: {  	_ =	shalt  }
0x6c: {  	_ =	shalt  }
0x6d: {  	_ =	shalt  }
0x6e: {  	_ =	shalt  }
0x6f: {  	_ =	shalt  }
0x70: {  	_ =	shalt  }
0x71: {  	_ =	shalt  }
0x72: {  	_ =	shalt  }
0x73: {  	_ =	shalt  }
0x74: {  	_ =	shalt  }
0x75: {  	_ =	shalt  }
0x76: {  	_ =	shalt  }
0x77: {  	_ =	shalt  }
0x78: {  	_ =	shalt  }
0x79: {  	_ =	shalt  }
0x7a: {  	_ =	shalt  }
0x7b: {  	_ =	shalt  }
0x7c: {  	_ =	shalt  }
0x7d: {  	_ =	shalt  }
0x7e: {  	_ =	shalt  }
0x7f: {  	_ =	shalt  }
0x80: {  	_ =	shalt  }
0x81: {  	_ =	shalt  }
0x82: {  	_ =	shalt  }
0x83: {  	_ =	shalt  }
0x84: {  	_ =	shalt  }
0x85: {  	_ =	shalt  }
0x86: {  	_ =	shalt  }
0x87: {  	_ =	shalt  }
.Lfunc_end0:
.L_simem_size_0:
called_computation_lowered:
.L_overlay_start_0:
0x88: {  	s2 =	sld [smem:$0x3FD9]  }
0x89: {  	s3 =	sld [smem:$0x3FFE];
	_ =	sdelay $0x1  }
0x8a: {  	s1 =	srdreg.scid  }
0x8b: {  	s0 =	sand.u32 $0x1, s1  }
0x8c: {  	s17 =	sshll.u32 s0, $0xA;
	s2 =	sadd.s32 s3, s2  }
0x8d: {  	s2 =	sadd.s32 s2, s17  }
0x8e: {  	[smem:$0x3FC0] =	sst s2  }
0x8f: {  	_ = 	snop  }
0x90: {  	s2 =	sld [smem:$0x3FC9];
	(tm) =	ssettm $0x1  }
0x91: {  	s18 =	sld [smem:$0x3FFB];
	_ =	sdelay $0x3  }
0x92: {  	_ =	strace s18  }
0x93: {  	s3 =	sld [smem:$0x3FFC];
	_ =	sdelay $0x3  }
0x94: {  	_ =	strace s3  }
0x95: {  	s3 =	sld [smem:$0x3FFD];
	_ =	sdelay $0x3  }
0x96: {  	_ =	strace s3  }
0x97: {  	_ =	strace $0x8FFFFFFF  }
0x98: {  	s19 =	sld [smem:$0x3FDB];
	_ =	sdelay $0x1  }
0x99: {  	s4 =	simm.s32 $_scs_section_size  }
0x9a: {  	s5 =	simm.s32 $_size__tile_overlayer_lowered;
	s6 =	simm.s32 $_tile_overlayer_lowered  }
0x9b: {  	s22 =	simm.s32 $0x1BFF;
	s21 =	sshll.u32 s6, $0x1;
	s3 =	sadd.s32 s4, s19  }
0x9c: {  	s7 =	simm.s32 $0x0;
	s20 =	sshll.u32 s5, $0x1;
	s5 =	sadd.s32 s21, s3  }
0x9d: {  	[timem:s7], [sflag:s22] =	dma.local [hbm:s5], s20  }
0x9e: {  	_ =	swait.ge [sflag:s22], s20  }
0x9f: {  	s4 =	ssub.s32 $0x0, s20;
	[sflag:s22] =	ssyncset.done $0x0  }
0xa0: {  	[sflag:s22] =	ssyncadd.s32 s4;
	_ =	sdelay $0x1  }
0xa1: {  	s23 =	simm.s32 $0x1B8B  }
0xa2: {  	_ =	swait.ge [sflag:s23], $0x1  }
0xa3: {  	[sflag:s23] =	ssyncset.done $0x0  }
0xa4: {  	s25 =	simm.s32 $0x1B8E;
	s24 =	sld [smem:$0x3FFE];
	[sflag:s23] =	ssyncadd.s32 $0xFFFFFFFF  }
0xa5: {  	s26 =	simm.s32 $execute0_lowered;
	[smem:$0x3FD2] =	sst s25  }
0xa6: {  	s5 =	sshll.u32 s26, $0x1;
	_ =	strace $0x80000046;
	[dreg:$0x1] =	wrdreg $0xFFFFFFFF  }
0xa7: {  	s28 =	simm.s32 $_size_execute0_lowered;
	s3 =	sadd.s32 s3, s5;
	[dreg:$0x0] =	wrdreg $0x0  }
0xa8: {  	s5 =	sshll.u32 s28, $0x1;
	[dreg:$0x2] =	wrdreg s3  }
0xa9: {  	[dreg:$0x3] =	wrdreg s5  }
0xaa: {  	[dreg:$0x4] =	wrdreg $0xC0  }
0xab: {  	_ =	task [dreg:s7], $0x5FFFF  }
0xac: {  	[dreg:$0x1] =	wrdreg $0xFFFFFFFF  }
0xad: {  	[dreg:$0x0] =	wrdreg $0x60  }
0xae: {  	[dreg:$0x2] =	wrdreg s2  }
0xaf: {  	[dreg:$0x3] =	wrdreg s24  }
0xb0: {  	[dreg:$0x4] =	wrdreg $0x8F800  }
0xb1: {  	[dreg:$0x5] =	wrdreg $0x9  }
0xb2: {  	_ =	task.clear_ibuf [dreg:s7], $0x6FFFF;
	_ =	strace $0x90000046  }
0xb3: {  	s29 =	simm.s32 $0x9;
	_ =	strace $0x80000048  }
0xb4: {  	_ =	swait.ge [sflag:s29], $0x1  }
0xb5: {  	[sflag:s29] =	ssyncadd.s32 $0xFFFFFFFF  }
0xb6: {  	_ =	strace $0x90000048  }
0xb7: {  	_ =	sfence  }
0xb8: {  	s30 =	sld [smem:$0x0];
	_ =	sdelay $0x2  }
0xb9: {  	s31 =	sshll.u32 s1, $0xD;
	s1 =	sshrl.u32 s1, $0x2  }
0xba: {  	s3 =	sand.u32 $0x4000, s31;
	s1 =	sadd.s32 s1, s30  }
0xbb: {  	s0 =	sor.u32 s3, s0;
	s1 =	sshll.u32 s1, $0x11  }
0xbc: {  	s0 =	sor.u32 s1, s0  }
0xbd: {  	s0 =	sadd.s32 $0x8F2B, s0  }
0xbe: {  	[sflag:s0] =	ssyncadd.remote.s32 $0x1  }
0xbf: {  	_ =	sfence.sel $0xFFFF  }
0xc0: {  	[dreg:$0x0] =	wrdreg $0xFFFFFFFF;
	(pc) =	sbr.abs _section_cstart, $3  }
0xc1: {  	[dreg:$0x1] =	wrdreg $0xFFFFFFFF  }
0xc2: {  	_ =	task.clear_ibuf [dreg:s7], $0x2FFFF;
	_ =	strace $0x9FFFFFFF  }
0xc3: {  	(tm) =	ssettm $0x7FFFFFFF  }
tec
execute0_lowered:
.L_overlay_start_1:
0x0: {  	(tag) =	ssettag $0x1  }
0x1: {  	s1 =	srdreg.scid  }
0x2: {  	s0 =	stileid.u32;
	s6 =	rddreg [dreg:$0x1]  }
0x3: {  	s3 =	rddreg [dreg:$0x2];
	s4 =	simm.s32 $0x0;
	s20 =	simm.s32 $0x80  }
0x4: {  	s21 =	simm.s32 $0x400;
	s22 =	simm.s32 $0x2780;
	s23 =	simm.s32 $0x1  }
0x5: {  	s24 =	simm.s32 $0x0;
	s7 =	sand.u32 $0x1, s1;
	s2 =	sshll.u32 s0, $0x1  }
0x6: {  	s1 =	rddreg [dreg:$0x0];
	s25 =	sshrl.u32 s0, $0x2;
	s28 =	smul.u32 $0x50000, s0  }
0x7: {  	[smem:$0x7FF] =	sst s4;
	s12 =	smul.u32 $0x14000, s0;
	s16 =	sadd.s32 $0x14A00, s6  }
0x8: {  	s5 =	sor.u32 s7, s2;
	s8 =	smul.u32 $0x13C00, s25;
	s2 =	rddreg [dreg:$0x3]  }
0x9: {  	_ =	strace $0x80000047;
	s29 =	ssub.s32 $0x2, s7;
	s15 =	smul.u32 $0x140000, s7  }
0xa: {  	s26 =	sshll.u32 s5, $0x7;
	s5 =	smul.u32 $0x500, s5;
	s30 =	sshrl.u32 s29, $0x1  }
0xb: {  	s13 =	sadd.s32 $0x4000, s12;
	s14 =	sadd.s32 $0x8000, s12;
	s18 =	sadd.s32 $0xC000, s12  }
0xc: {  	s19 =	sadd.s32 $0x10000, s12;
	s9 =	sand.u32 $0x380, s26;
	s17 =	ssub.s32 s29, s30  }
0xd: {  	s7 =	sadd.s32 s14, s3;
	s12 =	sadd.s32 s12, s15;
	s14 =	sadd.s32 s15, s14  }
0xe: {  	s8 =	sor.u32 s8, s9;
	s11 =	sadd.s32 s5, s6;
	s9 =	sadd.s32 s19, s3  }
0xf: {  	s12 =	sshrl.u32 s12, $0x3;
	s14 =	sshrl.u32 s14, $0x3;
	s19 =	sadd.s32 s15, s19  }
0x10: {  	s17 =	smax.u32 s17, $0x1;
	s8 =	sshrl.u32 s8, $0x3;
	s11 =	sadd.s32 $0xC00, s11  }
0x11: {  	s12 =	sadd.s32 s16, s12;
	s14 =	sadd.s32 s16, s14;
	s31 =	sshrl.u32 s19, $0x3  }
0x12: {  	s19 =	simm.s32 $0x2;
	s10 =	sadd.s32 s8, s6;
	s8 =	sshrl.u32 s28, $0x2  }
0x13: {  	s6 =	sadd.s32 s13, s3;
	s13 =	sadd.s32 s15, s13;
	s5 =	sadd.s32 s8, s3  }
0x14: {  	s8 =	sadd.s32 s18, s3;
	s13 =	sshrl.u32 s13, $0x3;
	s18 =	sadd.s32 s15, s18  }
0x15: {  	s10 =	sadd.s32 $0xAC00, s10;
	s13 =	sadd.s32 s16, s13;
	s18 =	sshrl.u32 s18, $0x3  }
0x16: {  	v0 =	vimm.f32 $0.0e+00;
	s15 =	sadd.s32 s16, s18;
	s16 =	sadd.s32 s16, s31;
	s18 =	simm.s32 $0x4F80  }
.LBB2_1:
0x17: {  	s25 =	sand.u32 $0xFE00, s4  }
0x18: {  	s26 =	sand.u32 $0x70, s4;
	s28 =	sshrl.u32 s25, $0x2  }
0x19: {  	s25 =	simm.s32 $0x40;
	s28 =	sor.u32 s26, s28;
	s26 =	simm.s32 $0x0  }
.LBB2_2:
0x1a: {  	p0 =	sne.s32 s25, $0xFFC0  }
0x1b: {  	[tilespmem:s28+$0x4F80] =	vst v0;
	s26 =	sadd.s32 $0x10, s26;
	s28 =	smov.u32 s25;
	s25 =	sadd.s32 $0x40, s25  }
.Ltmp0:
0x1c: {  	(pc) =	sbr.rel @p0 .LBB2_2-.Ltmp0, $4  }
0x1d: {  	_ = 	snop  }
0x1e: {  	s28 =	sand.u32 $0xFE00, s28  }
0x1f: {  	s29 =	sand.u32 $0x70, s26;
	s28 =	sshrl.u32 s28, $0x2  }
0x20: {  	s28 =	sor.u32 s29, s28  }
0x21: {  	[tilespmem:s28+$0x4F80] =	vst v0  }
0x22: {  	[spmem:s5] =	stream.linear.scatter [tilespmem:s18], [sflag:$0x2], $0x4000, $0x38;
	[tilespmem:$0x1CF80] =	vst v63  }
0x23: {  	_ =	swait.ge [sflag:s19], $0x4000  }
0x24: {  	[sflag:s19] =	ssyncset.done $0x0  }
0x25: {  	[sflag:s19] =	ssyncadd.s32 $0xFFFFC000  }
0x26: {  	[spmem:s6] =	stream.linear.scatter [tilespmem:s18], [sflag:$0x2], $0x4000, $0x38;
	[tilespmem:$0x1CF80] =	vst v63  }
0x27: {  	_ =	swait.ge [sflag:s19], $0x4000  }
0x28: {  	[sflag:s19] =	ssyncset.done $0x0  }
0x29: {  	[sflag:s19] =	ssyncadd.s32 $0xFFFFC000  }
0x2a: {  	[spmem:s7] =	stream.linear.scatter [tilespmem:s18], [sflag:$0x2], $0x4000, $0x38;
	[tilespmem:$0x1CF80] =	vst v63  }
0x2b: {  	_ =	swait.ge [sflag:s19], $0x4000  }
0x2c: {  	[sflag:s19] =	ssyncset.done $0x0  }
0x2d: {  	[sflag:s19] =	ssyncadd.s32 $0xFFFFC000  }
0x2e: {  	[spmem:s8] =	stream.linear.scatter [tilespmem:s18], [sflag:$0x2], $0x4000, $0x38;
	[tilespmem:$0x1CF80] =	vst v63  }
0x2f: {  	_ =	swait.ge [sflag:s19], $0x4000  }
0x30: {  	[sflag:s19] =	ssyncset.done $0x0  }
0x31: {  	[sflag:s19] =	ssyncadd.s32 $0xFFFFC000  }
0x32: {  	[spmem:s9] =	stream.linear.scatter [tilespmem:s18], [sflag:$0x2], $0x4000, $0x38;
	[tilespmem:$0x1CF80] =	vst v63  }
0x33: {  	_ =	swait.ge [sflag:s19], $0x4000  }
0x34: {  	[sflag:s19] =	ssyncset.done $0x0  }
0x35: {  	s25 =	simm.s32 $0x0;
	[sflag:s19] =	ssyncadd.s32 $0xFFFFC000  }
0x36: {  	[tilespmem:s25], [sflag:$0x2] =	stream.strided.gather [hbm4b:s10+s20], $0x2780, s21, s20, $0x38;
	[tilespmem:$0x1CF80] =	vst v63  }
0x37: {  	_ =	swait.ge [sflag:s19], $0x2780  }
0x38: {  	[sflag:s19] =	ssyncset.done $0x0  }
0x39: {  	[sflag:s19] =	ssyncadd.s32 $0xFFFFD880  }
0x3a: {  	[tilespmem:s22], [sflag:$0x2] =	stream.linear.gather [hbm4b:s11+s25], $0x2780, $0x38;
	[tilespmem:$0x1CF80] =	vst v63  }
0x3b: {  	_ =	swait.ge [sflag:s19], $0x2780  }
0x3c: {  	[sflag:s19] =	ssyncset.done $0x0  }
0x3d: {  	[sflag:s19] =	ssyncadd.s32 $0xFFFFD880  }
0x3e: {  	s30 =	simm.s32 $0x0;
	[bflag:$0x0] =	sbarrier.arrive $0xFFFF  }
0x3f: {  	[tilespmem:s18], [sflag:$0x1] =	stream.indirect.gather [hbm4b:s1+s20], $0x80, s30, s20, $0xb8;
	[tilespmem:$0x1CF80] =	vst v63  }
0x40: {  	_ =	swait.ge [sflag:s23], $0x4000  }
0x41: {  	[sflag:s23] =	ssyncset.done $0x0  }
0x42: {  	s31 =	simm.s32 $0x2780;
	[sflag:s23] =	ssyncadd.s32 $0xFFFFC000  }
0x43: {  	[spmem:s3] =	stream.indirect.scatter.add.f32 [tilespmem:s18], [sflag:$0x2], $0x80, s31, s20, $0xb8;
	[tilespmem:$0x1CF80] =	vst v63  }
0x44: {  	_ =	swait.ge [sflag:s19], $0x4000  }
0x45: {  	s26 =	simm.s32 $0x400;
	s25 =	simm.s32 $0x200;
	[sflag:s19] =	ssyncset.done $0x0  }
.LBB2_4:
0x46: {  	s28 =	sshra.s32 s25, $0x2  }
0x47: {  	[sflag:s19] =	ssyncadd.s32 $0xFFFFC000;
	s25 =	smov.u32 s26;
	s29 =	sadd.s32 $0x200, s26  }
0x48: {  	[tilespmem:s18], [sflag:$0x1] =	stream.indirect.gather [hbm4b:s1+s20], $0x80, s28, s20, $0xb8;
	[tilespmem:$0x1CF80] =	vst v63  }
0x49: {  	p0 =	sne.s32 s26, $0x9C00;
	_ =	swait.ge [sflag:s23], $0x4000  }
.Ltmp1:
0x4a: {  	[sflag:s23] =	ssyncset.done $0x0;
	(pc) =	sbr.rel @p0 .LBB2_4-.Ltmp1, $4  }
0x4b: {  	s26 =	sadd.s32 $0x2780, s28;
	[sflag:s23] =	ssyncadd.s32 $0xFFFFC000  }
0x4c: {  	[spmem:s3] =	stream.indirect.scatter.add.f32 [tilespmem:s18], [sflag:$0x2], $0x80, s26, s20, $0xb8;
	[tilespmem:$0x1CF80] =	vst v63  }
0x4d: {  	_ =	swait.ge [sflag:s19], $0x4000  }
0x4e: {  	s26 =	smov.u32 s29;
	[sflag:s19] =	ssyncset.done $0x0  }
0x4f: {  	s25 =	sshra.s32 s25, $0x2;
	[sflag:s19] =	ssyncadd.s32 $0xFFFFC000  }
0x50: {  	[tilespmem:s18], [sflag:$0x1] =	stream.indirect.gather [hbm4b:s1+s20], $0x80, s25, s20, $0xb8;
	[tilespmem:$0x1CF80] =	vst v63  }
0x51: {  	_ =	swait.ge [sflag:s23], $0x4000  }
0x52: {  	[sflag:s23] =	ssyncset.done $0x0  }
0x53: {  	s25 =	sadd.s32 $0x2780, s25;
	[sflag:s23] =	ssyncadd.s32 $0xFFFFC000  }
0x54: {  	[spmem:s3] =	stream.indirect.scatter.add.f32 [tilespmem:s18], [sflag:$0x2], $0x80, s25, s20, $0xb8;
	[tilespmem:$0x1CF80] =	vst v63  }
0x55: {  	_ =	swait.ge [sflag:s19], $0x4000  }
0x56: {  	[sflag:s19] =	ssyncset.done $0x0  }
0x57: {  	[sflag:s19] =	ssyncadd.s32 $0xFFFFC000  }
0x58: {  	[bflag:$0x0] =	sbarrier.arrive $0xFFFF  }
0x59: {  	[tilespmem:s18], [sflag:$0x2] =	stream.linear.gather [spmem:s5], $0x4000, $0x38;
	[tilespmem:$0x1CF80] =	vst v63  }
0x5a: {  	_ =	swait.ge [sflag:s19], $0x4000  }
0x5b: {  	[sflag:s19] =	ssyncset.done $0x0  }
0x5c: {  	[sflag:s19] =	ssyncadd.s32 $0xFFFFC000  }
0x5d: {  	[hbm4b:s12+s4] =	stream.linear.scatter [tilespmem:s18], [sflag:$0x2], $0x4000, $0x38;
	[tilespmem:$0x1CF80] =	vst v63  }
0x5e: {  	_ =	swait.ge [sflag:s19], $0x4000  }
0x5f: {  	[sflag:s19] =	ssyncset.done $0x0  }
0x60: {  	[sflag:s19] =	ssyncadd.s32 $0xFFFFC000  }
0x61: {  	[tilespmem:s18], [sflag:$0x2] =	stream.linear.gather [spmem:s6], $0x4000, $0x38;
	[tilespmem:$0x1CF80] =	vst v63  }
0x62: {  	_ =	swait.ge [sflag:s19], $0x4000  }
0x63: {  	[sflag:s19] =	ssyncset.done $0x0  }
0x64: {  	[sflag:s19] =	ssyncadd.s32 $0xFFFFC000  }
0x65: {  	[hbm4b:s13+s4] =	stream.linear.scatter [tilespmem:s18], [sflag:$0x2], $0x4000, $0x38;
	[tilespmem:$0x1CF80] =	vst v63  }
0x66: {  	_ =	swait.ge [sflag:s19], $0x4000  }
0x67: {  	[sflag:s19] =	ssyncset.done $0x0  }
0x68: {  	[sflag:s19] =	ssyncadd.s32 $0xFFFFC000  }
0x69: {  	[tilespmem:s18], [sflag:$0x2] =	stream.linear.gather [spmem:s7], $0x4000, $0x38;
	[tilespmem:$0x1CF80] =	vst v63  }
0x6a: {  	_ =	swait.ge [sflag:s19], $0x4000  }
0x6b: {  	[sflag:s19] =	ssyncset.done $0x0  }
0x6c: {  	[sflag:s19] =	ssyncadd.s32 $0xFFFFC000  }
0x6d: {  	[hbm4b:s14+s4] =	stream.linear.scatter [tilespmem:s18], [sflag:$0x2], $0x4000, $0x38;
	[tilespmem:$0x1CF80] =	vst v63  }
0x6e: {  	_ =	swait.ge [sflag:s19], $0x4000  }
0x6f: {  	[sflag:s19] =	ssyncset.done $0x0  }
0x70: {  	[sflag:s19] =	ssyncadd.s32 $0xFFFFC000  }
0x71: {  	[tilespmem:s18], [sflag:$0x2] =	stream.linear.gather [spmem:s8], $0x4000, $0x38;
	[tilespmem:$0x1CF80] =	vst v63  }
0x72: {  	_ =	swait.ge [sflag:s19], $0x4000  }
0x73: {  	[sflag:s19] =	ssyncset.done $0x0  }
0x74: {  	[sflag:s19] =	ssyncadd.s32 $0xFFFFC000  }
0x75: {  	[hbm4b:s15+s4] =	stream.linear.scatter [tilespmem:s18], [sflag:$0x2], $0x4000, $0x38;
	[tilespmem:$0x1CF80] =	vst v63  }
0x76: {  	_ =	swait.ge [sflag:s19], $0x4000  }
0x77: {  	[sflag:s19] =	ssyncset.done $0x0  }
0x78: {  	[sflag:s19] =	ssyncadd.s32 $0xFFFFC000  }
0x79: {  	[tilespmem:s18], [sflag:$0x2] =	stream.linear.gather [spmem:s9], $0x4000, $0x38;
	[tilespmem:$0x1CF80] =	vst v63  }
0x7a: {  	s24 =	sadd.s32 $0x1, s24;
	_ =	swait.ge [sflag:s19], $0x4000  }
0x7b: {  	p0 =	sne.s32 s24, s17;
	[sflag:s19] =	ssyncset.done $0x0  }
.Ltmp2:
0x7c: {  	[sflag:s19] =	ssyncadd.s32 $0xFFFFC000;
	(pc) =	sbr.rel @p0 .LBB2_1-.Ltmp2, $4  }
0x7d: {  	[hbm4b:s16+s4] =	stream.linear.scatter [tilespmem:s18], [sflag:$0x2], $0x4000, $0x38;
	[tilespmem:$0x1CF80] =	vst v63  }
0x7e: {  	_ =	swait.ge [sflag:s19], $0x4000  }
0x7f: {  	[sflag:s19] =	ssyncset.done $0x0  }
0x80: {  	[sflag:s19] =	ssyncadd.s32 $0xFFFFC000  }
0x81: {  	_ =	sfence.sel $0x180000  }
0x82: {  	[bflag:$0x0] =	sbarrier.arrive $0xFFFF  }
0x83: {  	p0 =	sne.s32 s0, $0x0;
	_ =	strace $0x90000047  }
0x84: {  	s0 =	sadd.s32 @!p0 $0x100000, s2;
	[bflag:$0x2] =	sbarrier.arrive $0xFFFF  }
0x85: {  	[sflag:s0] =	ssyncadd.tile.s32 @!p0 $0x1;
	_ =	shalt  }
.Lfunc_end2:
_tile_overlayer_lowered:
.L_overlay_start_2:
0x86: {  	(tag) =	ssettag $0x2  }
0x87: {  	s0 =	rddreg [dreg:$0x0];
	s2 =	stileid.u32  }
0x88: {  	s1 =	rddreg [dreg:$0x1];
	p0 =	sne.s32 s2, $0x0  }
0x89: {  	s3 =	rddreg [dreg:$0x2];
	[bflag:$0x3] =	sbarrier.arrive $0xFFFF;
	s2 =	simm.s32 @!p0 $0x1C02  }
0x8a: {  	[timem:s3], [sflag:s2] =	dma.local @!p0 [hbm:s0], s1  }
0x8b: {  	s0 =	simm.s32 @!p0 $0x2  }
0x8c: {  	_ =	swait.ge @!p0 [sflag:s0], s1  }
0x8d: {  	s1 =	ssub.s32 @!p0 $0x0, s1;
	[sflag:s0] =	ssyncset.done @!p0 $0x0  }
0x8e: {  	[sflag:s0] =	ssyncadd.s32 @!p0 s1  }
0x8f: {  	[bflag:$0x3] =	sbarrier.arrive $0xFFFF  }
0x90: {  	_ =	shalt  }

</sc_bundles>
